<compile_context>
chip_gen: v7x
topology: tpu7x:2x2x1
jax: 0.10.2.dev20260603
libtpu: 0.0.44.dev20260713+nightly
codegen_flags: <defaults>
</compile_context>

<pallas_src>
import jax
import jax.numpy as jnp
from jax import lax
from jax.experimental import pallas as pl
from jax.experimental.pallas import tpu as pltpu
from jax.experimental.pallas import tpu_sc as plsc

B, C, H, W, K = 64, 2, 128, 128, 128
HW = H * W
CHW = C * HW
L = 16
NC = 2
NS = 16
NW = NC * NS
BPW = B // NW


def _stage1_body(outflat, maski, ind, tgt, out,
                 indr, maskr, tgtall, idxs, preds, partv,
                 sem_is, sem_ms, sem_t, sem_gs):
    cid = lax.axis_index("c")
    sid = lax.axis_index("s")
    wid = sid * NC + cid
    b0 = wid * BPW
    sti = [pltpu.async_copy(ind.at[b0 + bl], indr[bl], sem_is[bl])
           for bl in range(BPW)]
    stm = [pltpu.async_copy(maski.at[b0 + bl], maskr[bl], sem_ms[bl])
           for bl in range(BPW)]
    stt = pltpu.async_copy(tgt.at[wid], tgtall, sem_t)
    gathers = []
    for bl in range(BPW):
        sti[bl].wait()
        base = (b0 + bl) * CHW
        for j in range(8):
            sl = pl.ds(L * j, L)
            v = indr[bl][sl] + base
            idxs[2 * bl][sl] = v
            idxs[2 * bl + 1][sl] = v + HW
        for r in (2 * bl, 2 * bl + 1):
            gathers.append(
                pltpu.async_copy(outflat.at[idxs[r]], preds[r], sem_gs[r]))
    for st in stm:
        st.wait()
    stt.wait()
    for cp in gathers:
        cp.wait()
    acc = jnp.zeros((L,), jnp.float32)
    msum = jnp.zeros((L,), jnp.float32)
    for bl in range(BPW):
        for j in range(8):
            sl = pl.ds(L * j, L)
            mk = maskr[bl][sl].astype(jnp.float32)
            d0 = jnp.abs(preds[2 * bl][sl]
                         - tgtall[pl.ds(2 * K * bl + L * j, L)])
            d1 = jnp.abs(preds[2 * bl + 1][sl]
                         - tgtall[pl.ds(2 * K * bl + K + L * j, L)])
            acc = acc + (d0 + d1) * mk
            msum = msum + mk
    partv[pl.ds(0, L)] = acc
    partv[pl.ds(L, L)] = msum
    pltpu.sync_copy(partv, out.at[wid])


def _stage2_body(parts, out, redv, outv, sem_r):
    cid = lax.axis_index("c")
    sid = lax.axis_index("s")

    @pl.when(jnp.logical_and(cid == 0, sid == 0))
    def _reduce():
        pltpu.async_copy(parts, redv, sem_r).wait()
        ta = jnp.zeros((L,), jnp.float32)
        tm = jnp.zeros((L,), jnp.float32)
        for t in range(NW):
            ta = ta + redv[t, pl.ds(0, L)]
            tm = tm + redv[t, pl.ds(L, L)]
        num = jnp.float32(0.0)
        den = jnp.float32(0.0)
        for i in range(L):
            num = num + ta[i]
            den = den + tm[i]
        den = den * jnp.float32(C) + jnp.float32(1e-4)
        numv = jnp.full((L,), num, jnp.float32)
        denv = jnp.full((L,), den, jnp.float32)
        outv[...] = numv / denv
        pltpu.sync_copy(outv, out)


_MESH = plsc.VectorSubcoreMesh(core_axis_name="c", subcore_axis_name="s")

_stage1 = pl.kernel(
    _stage1_body,
    out_type=jax.ShapeDtypeStruct((NW, 2 * L), jnp.float32),
    mesh=_MESH,
    scratch_types=[
        [pltpu.VMEM((K,), jnp.int32) for _ in range(BPW)],
        [pltpu.VMEM((K,), jnp.int32) for _ in range(BPW)],
        pltpu.VMEM((C * BPW * K,), jnp.float32),
        [pltpu.VMEM((K,), jnp.int32) for _ in range(2 * BPW)],
        [pltpu.VMEM((K,), jnp.float32) for _ in range(2 * BPW)],
        pltpu.VMEM((2 * L,), jnp.float32),
        [pltpu.SemaphoreType.DMA for _ in range(BPW)],
        [pltpu.SemaphoreType.DMA for _ in range(BPW)],
        pltpu.SemaphoreType.DMA,
        [pltpu.SemaphoreType.DMA for _ in range(2 * BPW)],
    ],
)

_stage2 = pl.kernel(
    _stage2_body,
    out_type=jax.ShapeDtypeStruct((L,), jnp.float32),
    mesh=plsc.VectorSubcoreMesh(core_axis_name="c", subcore_axis_name="s",
                                num_cores=1),
    scratch_types=[
        pltpu.VMEM((NW, 2 * L), jnp.float32),
        pltpu.VMEM((L,), jnp.float32),
        pltpu.SemaphoreType.DMA,
    ],
)


def kernel(output, mask, ind, target):
    outflat = output.reshape(B * C * HW)
    tgt = jnp.transpose(target, (0, 2, 1)).reshape(NW, C * BPW * K)
    parts = _stage1(outflat, mask.astype(jnp.int32), ind.astype(jnp.int32),
                    tgt)
    res = _stage2(parts)
    return res[0]

# --- scband reference (transcript-rebuilt; emitter-appended) ---
"""Pipeline reference for scband-reg-l1-loss-51539607763 (READ-ONLY COPY).

The authoritative reference and input builder live on the scoring server;
editing this copy changes nothing except your own understanding.
"""

import jax, jax.numpy as jnp
import numpy as np


def setup_inputs(seed: int = 0) -> dict:
    key = jax.random.key(seed)
    k1, k2, k3, k4 = jax.random.split(key, 4)
    B, C, H, W, K = 64, 2, 128, 128, 128
    output = jax.random.normal(k1, (B, C, H, W), dtype=jnp.float32)
    mask = jax.random.randint(k2, (B, K), 0, 2, dtype=jnp.int64)
    ind = jax.random.randint(k3, (B, K), 0, H * W, dtype=jnp.int64)
    target = jax.random.normal(k4, (B, K, C), dtype=jnp.float32)
    return {"output": output, "mask": mask, "ind": ind, "target": target}


def _transpose_and_gather_feat(feat, ind):
    # feat: [B, C, H, W] -> [B, H*W, C], gather along dim 1 with ind [B, K]
    B, C, H, W = feat.shape
    feat = jnp.transpose(feat, (0, 2, 3, 1)).reshape(B, H * W, C)
    K = ind.shape[1]
    ind_exp = jnp.broadcast_to(ind[:, :, None], (B, K, C))
    return jnp.take_along_axis(feat, ind_exp, axis=1)  # [B, K, C]


def reference(output, mask, ind, target):
    pred = _transpose_and_gather_feat(output, ind)  # [B, K, C]
    maskf = jnp.broadcast_to(mask[:, :, None], pred.shape).astype(jnp.float32)
    # F.l1_loss(..., size_average=False) == sum reduction
    loss = jnp.sum(jnp.abs(pred * maskf - target * maskf))
    loss = loss / (jnp.sum(maskf) + 0.0001)
    return loss

if __name__ == "__main__":
    import jax
    _d = setup_inputs()
    print(jax.jit(kernel)(*tuple(_d.values())))

</pallas_src>

<mosaic_0001>
#map = affine_map<(d0, d1) -> (0)>
#map1 = affine_map<(d0, d1) -> (0, 0)>
module attributes {stable_mosaic.version = 14 : i64} {
  func.func @_stage1_body(%arg0: i32, %arg1: i32, %arg2: memref<2097152xf32, #tpu.memory_space<hbm>>, %arg3: memref<64x128xi32, #tpu.memory_space<hbm>>, %arg4: memref<64x128xi32, #tpu.memory_space<hbm>>, %arg5: memref<32x512xf32, #tpu.memory_space<hbm>>, %arg6: memref<32x32xf32, #tpu.memory_space<hbm>>, %arg7: memref<128xi32, #tpu.memory_space<vmem>>, %arg8: memref<128xi32, #tpu.memory_space<vmem>>, %arg9: memref<128xi32, #tpu.memory_space<vmem>>, %arg10: memref<128xi32, #tpu.memory_space<vmem>>, %arg11: memref<512xf32, #tpu.memory_space<vmem>>, %arg12: memref<128xi32, #tpu.memory_space<vmem>>, %arg13: memref<128xi32, #tpu.memory_space<vmem>>, %arg14: memref<128xi32, #tpu.memory_space<vmem>>, %arg15: memref<128xi32, #tpu.memory_space<vmem>>, %arg16: memref<128xf32, #tpu.memory_space<vmem>>, %arg17: memref<128xf32, #tpu.memory_space<vmem>>, %arg18: memref<128xf32, #tpu.memory_space<vmem>>, %arg19: memref<128xf32, #tpu.memory_space<vmem>>, %arg20: memref<32xf32, #tpu.memory_space<vmem>>, %arg21: memref<!tpu.dma_semaphore, #tpu.memory_space<semaphore_mem>>, %arg22: memref<!tpu.dma_semaphore, #tpu.memory_space<semaphore_mem>>, %arg23: memref<!tpu.dma_semaphore, #tpu.memory_space<semaphore_mem>>, %arg24: memref<!tpu.dma_semaphore, #tpu.memory_space<semaphore_mem>>, %arg25: memref<!tpu.dma_semaphore, #tpu.memory_space<semaphore_mem>>, %arg26: memref<!tpu.dma_semaphore, #tpu.memory_space<semaphore_mem>>, %arg27: memref<!tpu.dma_semaphore, #tpu.memory_space<semaphore_mem>>, %arg28: memref<!tpu.dma_semaphore, #tpu.memory_space<semaphore_mem>>, %arg29: memref<!tpu.dma_semaphore, #tpu.memory_space<semaphore_mem>>) attributes {dimension_semantics = [#tpu.dimension_semantics<core_parallel>, #tpu.dimension_semantics<subcore_parallel>], iteration_bounds = array<i64: 2, 16>, scalar_prefetch = 0 : i64, scratch_operands = 23 : i64, tpu.core_type = #tpu.core_type<sc_vector_subcore>, window_params = [{transform_indices = #map}, {transform_indices = #map1}, {transform_indices = #map1}, {transform_indices = #map1}, {transform_indices = #map1}]} {
    %mul3A = arith.constant 2 : i32
    %mul3A_0 = arith.muli %arg1, %mul3A : i32
    %add3A = arith.addi %mul3A_0, %arg0 : i32
    %mul3A_1 = arith.constant 2 : i32
    %mul3A_2 = arith.muli %add3A, %mul3A_1 : i32
    %add3A_3 = arith.constant 0 : i32
    %add3A_4 = arith.addi %mul3A_2, %add3A_3 : i32
    %dma_start3A = arith.constant 0 : i32
    %dma_start3A_5 = tpu.memref_slice %arg4[%add3A_4, %dma_start3A] : memref<64x128xi32, #tpu.memory_space<hbm>> -> memref<1x128xi32, #tpu.memory_space<hbm>>
    %dma_start3A_6 = tpu.memref_squeeze %dma_start3A_5 : memref<1x128xi32, #tpu.memory_space<hbm>> -> memref<128xi32, #tpu.memory_space<hbm>>
    %dma_start3A_7 = arith.constant 0 : i32
    %dma_start3A_8 = tpu.memref_slice %arg4[%add3A_4, %dma_start3A_7] : memref<64x128xi32, #tpu.memory_space<hbm>> -> memref<1x128xi32, #tpu.memory_space<hbm>>
    %dma_start3A_9 = tpu.memref_squeeze %dma_start3A_8 : memref<1x128xi32, #tpu.memory_space<hbm>> -> memref<128xi32, #tpu.memory_space<hbm>>
    tpu.enqueue_dma source(%dma_start3A_9 : memref<128xi32, #tpu.memory_space<hbm>>) target(%arg7 : memref<128xi32, #tpu.memory_space<vmem>>) target_semaphore(%arg21 : memref<!tpu.dma_semaphore, #tpu.memory_space<semaphore_mem>>)
    %add3A_10 = arith.constant 1 : i32
    %add3A_11 = arith.addi %mul3A_2, %add3A_10 : i32
    %dma_start3A_12 = arith.constant 0 : i32
    %dma_start3A_13 = tpu.memref_slice %arg4[%add3A_11, %dma_start3A_12] : memref<64x128xi32, #tpu.memory_space<hbm>> -> memref<1x128xi32, #tpu.memory_space<hbm>>
    %dma_start3A_14 = tpu.memref_squeeze %dma_start3A_13 : memref<1x128xi32, #tpu.memory_space<hbm>> -> memref<128xi32, #tpu.memory_space<hbm>>
    %dma_start3A_15 = arith.constant 0 : i32
    %dma_start3A_16 = tpu.memref_slice %arg4[%add3A_11, %dma_start3A_15] : memref<64x128xi32, #tpu.memory_space<hbm>> -> memref<1x128xi32, #tpu.memory_space<hbm>>
    %dma_start3A_17 = tpu.memref_squeeze %dma_start3A_16 : memref<1x128xi32, #tpu.memory_space<hbm>> -> memref<128xi32, #tpu.memory_space<hbm>>
    tpu.enqueue_dma source(%dma_start3A_17 : memref<128xi32, #tpu.memory_space<hbm>>) target(%arg8 : memref<128xi32, #tpu.memory_space<vmem>>) target_semaphore(%arg22 : memref<!tpu.dma_semaphore, #tpu.memory_space<semaphore_mem>>)
    %add3A_18 = arith.constant 0 : i32
    %add3A_19 = arith.addi %mul3A_2, %add3A_18 : i32
    %dma_start3A_20 = arith.constant 0 : i32
    %dma_start3A_21 = tpu.memref_slice %arg3[%add3A_19, %dma_start3A_20] : memref<64x128xi32, #tpu.memory_space<hbm>> -> memref<1x128xi32, #tpu.memory_space<hbm>>
    %dma_start3A_22 = tpu.memref_squeeze %dma_start3A_21 : memref<1x128xi32, #tpu.memory_space<hbm>> -> memref<128xi32, #tpu.memory_space<hbm>>
    %dma_start3A_23 = arith.constant 0 : i32
    %dma_start3A_24 = tpu.memref_slice %arg3[%add3A_19, %dma_start3A_23] : memref<64x128xi32, #tpu.memory_space<hbm>> -> memref<1x128xi32, #tpu.memory_space<hbm>>
    %dma_start3A_25 = tpu.memref_squeeze %dma_start3A_24 : memref<1x128xi32, #tpu.memory_space<hbm>> -> memref<128xi32, #tpu.memory_space<hbm>>
    tpu.enqueue_dma source(%dma_start3A_25 : memref<128xi32, #tpu.memory_space<hbm>>) target(%arg9 : memref<128xi32, #tpu.memory_space<vmem>>) target_semaphore(%arg23 : memref<!tpu.dma_semaphore, #tpu.memory_space<semaphore_mem>>)
    %add3A_26 = arith.constant 1 : i32
    %add3A_27 = arith.addi %mul3A_2, %add3A_26 : i32
    %dma_start3A_28 = arith.constant 0 : i32
    %dma_start3A_29 = tpu.memref_slice %arg3[%add3A_27, %dma_start3A_28] : memref<64x128xi32, #tpu.memory_space<hbm>> -> memref<1x128xi32, #tpu.memory_space<hbm>>
    %dma_start3A_30 = tpu.memref_squeeze %dma_start3A_29 : memref<1x128xi32, #tpu.memory_space<hbm>> -> memref<128xi32, #tpu.memory_space<hbm>>
    %dma_start3A_31 = arith.constant 0 : i32
    %dma_start3A_32 = tpu.memref_slice %arg3[%add3A_27, %dma_start3A_31] : memref<64x128xi32, #tpu.memory_space<hbm>> -> memref<1x128xi32, #tpu.memory_space<hbm>>
    %dma_start3A_33 = tpu.memref_squeeze %dma_start3A_32 : memref<1x128xi32, #tpu.memory_space<hbm>> -> memref<128xi32, #tpu.memory_space<hbm>>
    tpu.enqueue_dma source(%dma_start3A_33 : memref<128xi32, #tpu.memory_space<hbm>>) target(%arg10 : memref<128xi32, #tpu.memory_space<vmem>>) target_semaphore(%arg24 : memref<!tpu.dma_semaphore, #tpu.memory_space<semaphore_mem>>)
    %dma_start3A_34 = arith.constant 0 : i32
    %dma_start3A_35 = tpu.memref_slice %arg5[%add3A, %dma_start3A_34] : memref<32x512xf32, #tpu.memory_space<hbm>> -> memref<1x512xf32, #tpu.memory_space<hbm>>
    %dma_start3A_36 = tpu.memref_squeeze %dma_start3A_35 : memref<1x512xf32, #tpu.memory_space<hbm>> -> memref<512xf32, #tpu.memory_space<hbm>>
    %dma_start3A_37 = arith.constant 0 : i32
    %dma_start3A_38 = tpu.memref_slice %arg5[%add3A, %dma_start3A_37] : memref<32x512xf32, #tpu.memory_space<hbm>> -> memref<1x512xf32, #tpu.memory_space<hbm>>
    %dma_start3A_39 = tpu.memref_squeeze %dma_start3A_38 : memref<1x512xf32, #tpu.memory_space<hbm>> -> memref<512xf32, #tpu.memory_space<hbm>>
    tpu.enqueue_dma source(%dma_start3A_39 : memref<512xf32, #tpu.memory_space<hbm>>) target(%arg11 : memref<512xf32, #tpu.memory_space<vmem>>) target_semaphore(%arg25 : memref<!tpu.dma_semaphore, #tpu.memory_space<semaphore_mem>>)
    %dma_wait3A = arith.constant 0 : i32
    %dma_wait3A_40 = tpu.memref_slice %arg4[%add3A_4, %dma_wait3A] : memref<64x128xi32, #tpu.memory_space<hbm>> -> memref<1x128xi32, #tpu.memory_space<hbm>>
    %dma_wait3A_41 = tpu.memref_squeeze %dma_wait3A_40 : memref<1x128xi32, #tpu.memory_space<hbm>> -> memref<128xi32, #tpu.memory_space<hbm>>
    %dma_wait3A_42 = arith.constant 0 : i32
    %dma_wait3A_43 = tpu.memref_slice %arg4[%add3A_4, %dma_wait3A_42] : memref<64x128xi32, #tpu.memory_space<hbm>> -> memref<1x128xi32, #tpu.memory_space<hbm>>
    %dma_wait3A_44 = tpu.memref_squeeze %dma_wait3A_43 : memref<1x128xi32, #tpu.memory_space<hbm>> -> memref<128xi32, #tpu.memory_space<hbm>>
    tpu.wait_dma2 semaphore(%arg21 : memref<!tpu.dma_semaphore, #tpu.memory_space<semaphore_mem>>) src(%dma_wait3A_44 : memref<128xi32, #tpu.memory_space<hbm>>) dst(%arg7 : memref<128xi32, #tpu.memory_space<vmem>>)
    %add3A_45 = arith.constant 0 : i32
    %add3A_46 = arith.addi %mul3A_2, %add3A_45 : i32
    %mul3A_47 = arith.constant 32768 : i32
    %mul3A_48 = arith.muli %add3A_46, %mul3A_47 : i32
    %get3A = arith.constant 0 : index
    %get3A_49 = tpu.vector_load %arg7[%get3A] {strides = array<i32>} : memref<128xi32, #tpu.memory_space<vmem>>, vector<16xi32>,
    %get3A_50 = vector.shape_cast %get3A_49 : vector<16xi32> to vector<16xi32>
    %add3A_51 = vector.broadcast %mul3A_48 : i32 to vector<16xi32>
    %add3A_52 = arith.addi %get3A_50, %add3A_51 : vector<16xi32>
    %swap3A = arith.constant 0 : index
    %swap3A_53 = tpu.vector_load %arg12[%swap3A] {strides = array<i32>} : memref<128xi32, #tpu.memory_space<vmem>>, vector<16xi32>,
    %swap3A_54 = vector.shape_cast %swap3A_53 : vector<16xi32> to vector<16xi32>
    %swap3A_55 = vector.shape_cast %add3A_52 : vector<16xi32> to vector<16xi32>
    tpu.vector_store %arg12[%swap3A], %swap3A_55 {strides = array<i32>} : memref<128xi32, #tpu.memory_space<vmem>>, vector<16xi32>,
    %add3A_56 = arith.constant 16384 : i32
    %add3A_57 = vector.broadcast %add3A_56 : i32 to vector<16xi32>
    %add3A_58 = arith.addi %add3A_52, %add3A_57 : vector<16xi32>
    %swap3A_59 = arith.constant 0 : index
    %swap3A_60 = tpu.vector_load %arg13[%swap3A_59] {strides = array<i32>} : memref<128xi32, #tpu.memory_space<vmem>>, vector<16xi32>,
    %swap3A_61 = vector.shape_cast %swap3A_60 : vector<16xi32> to vector<16xi32>
    %swap3A_62 = vector.shape_cast %add3A_58 : vector<16xi32> to vector<16xi32>
    tpu.vector_store %arg13[%swap3A_59], %swap3A_62 {strides = array<i32>} : memref<128xi32, #tpu.memory_space<vmem>>, vector<16xi32>,
    %get3A_63 = arith.constant 16 : index
    %get3A_64 = tpu.vector_load %arg7[%get3A_63] {strides = array<i32>} : memref<128xi32, #tpu.memory_space<vmem>>, vector<16xi32>,
    %get3A_65 = vector.shape_cast %get3A_64 : vector<16xi32> to vector<16xi32>
    %add3A_66 = vector.broadcast %mul3A_48 : i32 to vector<16xi32>
    %add3A_67 = arith.addi %get3A_65, %add3A_66 : vector<16xi32>
    %swap3A_68 = arith.constant 16 : index
    %swap3A_69 = tpu.vector_load %arg12[%swap3A_68] {strides = array<i32>} : memref<128xi32, #tpu.memory_space<vmem>>, vector<16xi32>,
    %swap3A_70 = vector.shape_cast %swap3A_69 : vector<16xi32> to vector<16xi32>
    %swap3A_71 = vector.shape_cast %add3A_67 : vector<16xi32> to vector<16xi32>
    tpu.vector_store %arg12[%swap3A_68], %swap3A_71 {strides = array<i32>} : memref<128xi32, #tpu.memory_space<vmem>>, vector<16xi32>,
    %add3A_72 = arith.constant 16384 : i32
    %add3A_73 = vector.broadcast %add3A_72 : i32 to vector<16xi32>
    %add3A_74 = arith.addi %add3A_67, %add3A_73 : vector<16xi32>
    %swap3A_75 = arith.constant 16 : index
    %swap3A_76 = tpu.vector_load %arg13[%swap3A_75] {strides = array<i32>} : memref<128xi32, #tpu.memory_space<vmem>>, vector<16xi32>,
    %swap3A_77 = vector.shape_cast %swap3A_76 : vector<16xi32> to vector<16xi32>
    %swap3A_78 = vector.shape_cast %add3A_74 : vector<16xi32> to vector<16xi32>
    tpu.vector_store %arg13[%swap3A_75], %swap3A_78 {strides = array<i32>} : memref<128xi32, #tpu.memory_space<vmem>>, vector<16xi32>,
    %get3A_79 = arith.constant 32 : index
    %get3A_80 = tpu.vector_load %arg7[%get3A_79] {strides = array<i32>} : memref<128xi32, #tpu.memory_space<vmem>>, vector<16xi32>,
    %get3A_81 = vector.shape_cast %get3A_80 : vector<16xi32> to vector<16xi32>
    %add3A_82 = vector.broadcast %mul3A_48 : i32 to vector<16xi32>
    %add3A_83 = arith.addi %get3A_81, %add3A_82 : vector<16xi32>
    %swap3A_84 = arith.constant 32 : index
    %swap3A_85 = tpu.vector_load %arg12[%swap3A_84] {strides = array<i32>} : memref<128xi32, #tpu.memory_space<vmem>>, vector<16xi32>,
    %swap3A_86 = vector.shape_cast %swap3A_85 : vector<16xi32> to vector<16xi32>
    %swap3A_87 = vector.shape_cast %add3A_83 : vector<16xi32> to vector<16xi32>
    tpu.vector_store %arg12[%swap3A_84], %swap3A_87 {strides = array<i32>} : memref<128xi32, #tpu.memory_space<vmem>>, vector<16xi32>,
    %add3A_88 = arith.constant 16384 : i32
    %add3A_89 = vector.broadcast %add3A_88 : i32 to vector<16xi32>
    %add3A_90 = arith.addi %add3A_83, %add3A_89 : vector<16xi32>
    %swap3A_91 = arith.constant 32 : index
    %swap3A_92 = tpu.vector_load %arg13[%swap3A_91] {strides = array<i32>} : memref<128xi32, #tpu.memory_space<vmem>>, vector<16xi32>,
    %swap3A_93 = vector.shape_cast %swap3A_92 : vector<16xi32> to vector<16xi32>
    %swap3A_94 = vector.shape_cast %add3A_90 : vector<16xi32> to vector<16xi32>
    tpu.vector_store %arg13[%swap3A_91], %swap3A_94 {strides = array<i32>} : memref<128xi32, #tpu.memory_space<vmem>>, vector<16xi32>,
    %get3A_95 = arith.constant 48 : index
    %get3A_96 = tpu.vector_load %arg7[%get3A_95] {strides = array<i32>} : memref<128xi32, #tpu.memory_space<vmem>>, vector<16xi32>,
    %get3A_97 = vector.shape_cast %get3A_96 : vector<16xi32> to vector<16xi32>
    %add3A_98 = vector.broadcast %mul3A_48 : i32 to vector<16xi32>
    %add3A_99 = arith.addi %get3A_97, %add3A_98 : vector<16xi32>
    %swap3A_100 = arith.constant 48 : index
    %swap3A_101 = tpu.vector_load %arg12[%swap3A_100] {strides = array<i32>} : memref<128xi32, #tpu.memory_space<vmem>>, vector<16xi32>,
    %swap3A_102 = vector.shape_cast %swap3A_101 : vector<16xi32> to vector<16xi32>
    %swap3A_103 = vector.shape_cast %add3A_99 : vector<16xi32> to vector<16xi32>
    tpu.vector_store %arg12[%swap3A_100], %swap3A_103 {strides = array<i32>} : memref<128xi32, #tpu.memory_space<vmem>>, vector<16xi32>,
    %add3A_104 = arith.constant 16384 : i32
    %add3A_105 = vector.broadcast %add3A_104 : i32 to vector<16xi32>
    %add3A_106 = arith.addi %add3A_99, %add3A_105 : vector<16xi32>
    %swap3A_107 = arith.constant 48 : index
    %swap3A_108 = tpu.vector_load %arg13[%swap3A_107] {strides = array<i32>} : memref<128xi32, #tpu.memory_space<vmem>>, vector<16xi32>,
    %swap3A_109 = vector.shape_cast %swap3A_108 : vector<16xi32> to vector<16xi32>
    %swap3A_110 = vector.shape_cast %add3A_106 : vector<16xi32> to vector<16xi32>
    tpu.vector_store %arg13[%swap3A_107], %swap3A_110 {strides = array<i32>} : memref<128xi32, #tpu.memory_space<vmem>>, vector<16xi32>,
    %get3A_111 = arith.constant 64 : index
    %get3A_112 = tpu.vector_load %arg7[%get3A_111] {strides = array<i32>} : memref<128xi32, #tpu.memory_space<vmem>>, vector<16xi32>,
    %get3A_113 = vector.shape_cast %get3A_112 : vector<16xi32> to vector<16xi32>
    %add3A_114 = vector.broadcast %mul3A_48 : i32 to vector<16xi32>
    %add3A_115 = arith.addi %get3A_113, %add3A_114 : vector<16xi32>
    %swap3A_116 = arith.constant 64 : index
    %swap3A_117 = tpu.vector_load %arg12[%swap3A_116] {strides = array<i32>} : memref<128xi32, #tpu.memory_space<vmem>>, vector<16xi32>,
    %swap3A_118 = vector.shape_cast %swap3A_117 : vector<16xi32> to vector<16xi32>
    %swap3A_119 = vector.shape_cast %add3A_115 : vector<16xi32> to vector<16xi32>
    tpu.vector_store %arg12[%swap3A_116], %swap3A_119 {strides = array<i32>} : memref<128xi32, #tpu.memory_space<vmem>>, vector<16xi32>,
    %add3A_120 = arith.constant 16384 : i32
    %add3A_121 = vector.broadcast %add3A_120 : i32 to vector<16xi32>
    %add3A_122 = arith.addi %add3A_115, %add3A_121 : vector<16xi32>
    %swap3A_123 = arith.constant 64 : index
    %swap3A_124 = tpu.vector_load %arg13[%swap3A_123] {strides = array<i32>} : memref<128xi32, #tpu.memory_space<vmem>>, vector<16xi32>,
    %swap3A_125 = vector.shape_cast %swap3A_124 : vector<16xi32> to vector<16xi32>
    %swap3A_126 = vector.shape_cast %add3A_122 : vector<16xi32> to vector<16xi32>
    tpu.vector_store %arg13[%swap3A_123], %swap3A_126 {strides = array<i32>} : memref<128xi32, #tpu.memory_space<vmem>>, vector<16xi32>,
    %get3A_127 = arith.constant 80 : index
    %get3A_128 = tpu.vector_load %arg7[%get3A_127] {strides = array<i32>} : memref<128xi32, #tpu.memory_space<vmem>>, vector<16xi32>,
    %get3A_129 = vector.shape_cast %get3A_128 : vector<16xi32> to vector<16xi32>
    %add3A_130 = vector.broadcast %mul3A_48 : i32 to vector<16xi32>
    %add3A_131 = arith.addi %get3A_129, %add3A_130 : vector<16xi32>
    %swap3A_132 = arith.constant 80 : index
    %swap3A_133 = tpu.vector_load %arg12[%swap3A_132] {strides = array<i32>} : memref<128xi32, #tpu.memory_space<vmem>>, vector<16xi32>,
    %swap3A_134 = vector.shape_cast %swap3A_133 : vector<16xi32> to vector<16xi32>
    %swap3A_135 = vector.shape_cast %add3A_131 : vector<16xi32> to vector<16xi32>
    tpu.vector_store %arg12[%swap3A_132], %swap3A_135 {strides = array<i32>} : memref<128xi32, #tpu.memory_space<vmem>>, vector<16xi32>,
    %add3A_136 = arith.constant 16384 : i32
    %add3A_137 = vector.broadcast %add3A_136 : i32 to vector<16xi32>
    %add3A_138 = arith.addi %add3A_131, %add3A_137 : vector<16xi32>
    %swap3A_139 = arith.constant 80 : index
    %swap3A_140 = tpu.vector_load %arg13[%swap3A_139] {strides = array<i32>} : memref<128xi32, #tpu.memory_space<vmem>>, vector<16xi32>,
    %swap3A_141 = vector.shape_cast %swap3A_140 : vector<16xi32> to vector<16xi32>
    %swap3A_142 = vector.shape_cast %add3A_138 : vector<16xi32> to vector<16xi32>
    tpu.vector_store %arg13[%swap3A_139], %swap3A_142 {strides = array<i32>} : memref<128xi32, #tpu.memory_space<vmem>>, vector<16xi32>,
    %get3A_143 = arith.constant 96 : index
    %get3A_144 = tpu.vector_load %arg7[%get3A_143] {strides = array<i32>} : memref<128xi32, #tpu.memory_space<vmem>>, vector<16xi32>,
    %get3A_145 = vector.shape_cast %get3A_144 : vector<16xi32> to vector<16xi32>
    %add3A_146 = vector.broadcast %mul3A_48 : i32 to vector<16xi32>
    %add3A_147 = arith.addi %get3A_145, %add3A_146 : vector<16xi32>
    %swap3A_148 = arith.constant 96 : index
    %swap3A_149 = tpu.vector_load %arg12[%swap3A_148] {strides = array<i32>} : memref<128xi32, #tpu.memory_space<vmem>>, vector<16xi32>,
    %swap3A_150 = vector.shape_cast %swap3A_149 : vector<16xi32> to vector<16xi32>
    %swap3A_151 = vector.shape_cast %add3A_147 : vector<16xi32> to vector<16xi32>
    tpu.vector_store %arg12[%swap3A_148], %swap3A_151 {strides = array<i32>} : memref<128xi32, #tpu.memory_space<vmem>>, vector<16xi32>,
    %add3A_152 = arith.constant 16384 : i32
    %add3A_153 = vector.broadcast %add3A_152 : i32 to vector<16xi32>
    %add3A_154 = arith.addi %add3A_147, %add3A_153 : vector<16xi32>
    %swap3A_155 = arith.constant 96 : index
    %swap3A_156 = tpu.vector_load %arg13[%swap3A_155] {strides = array<i32>} : memref<128xi32, #tpu.memory_space<vmem>>, vector<16xi32>,
    %swap3A_157 = vector.shape_cast %swap3A_156 : vector<16xi32> to vector<16xi32>
    %swap3A_158 = vector.shape_cast %add3A_154 : vector<16xi32> to vector<16xi32>
    tpu.vector_store %arg13[%swap3A_155], %swap3A_158 {strides = array<i32>} : memref<128xi32, #tpu.memory_space<vmem>>, vector<16xi32>,
    %get3A_159 = arith.constant 112 : index
    %get3A_160 = tpu.vector_load %arg7[%get3A_159] {strides = array<i32>} : memref<128xi32, #tpu.memory_space<vmem>>, vector<16xi32>,
    %get3A_161 = vector.shape_cast %get3A_160 : vector<16xi32> to vector<16xi32>
    %add3A_162 = vector.broadcast %mul3A_48 : i32 to vector<16xi32>
    %add3A_163 = arith.addi %get3A_161, %add3A_162 : vector<16xi32>
    %swap3A_164 = arith.constant 112 : index
    %swap3A_165 = tpu.vector_load %arg12[%swap3A_164] {strides = array<i32>} : memref<128xi32, #tpu.memory_space<vmem>>, vector<16xi32>,
    %swap3A_166 = vector.shape_cast %swap3A_165 : vector<16xi32> to vector<16xi32>
    %swap3A_167 = vector.shape_cast %add3A_163 : vector<16xi32> to vector<16xi32>
    tpu.vector_store %arg12[%swap3A_164], %swap3A_167 {strides = array<i32>} : memref<128xi32, #tpu.memory_space<vmem>>, vector<16xi32>,
    %add3A_168 = arith.constant 16384 : i32
    %add3A_169 = vector.broadcast %add3A_168 : i32 to vector<16xi32>
    %add3A_170 = arith.addi %add3A_163, %add3A_169 : vector<16xi32>
    %swap3A_171 = arith.constant 112 : index
    %swap3A_172 = tpu.vector_load %arg13[%swap3A_171] {strides = array<i32>} : memref<128xi32, #tpu.memory_space<vmem>>, vector<16xi32>,
    %swap3A_173 = vector.shape_cast %swap3A_172 : vector<16xi32> to vector<16xi32>
    %swap3A_174 = vector.shape_cast %add3A_170 : vector<16xi32> to vector<16xi32>
    tpu.vector_store %arg13[%swap3A_171], %swap3A_174 {strides = array<i32>} : memref<128xi32, #tpu.memory_space<vmem>>, vector<16xi32>,
    %dma_start3A_175 = arith.constant 0 : i32
    %dma_start3A_176 = tpu.memref_slice %arg2[%dma_start3A_175] : memref<2097152xf32, #tpu.memory_space<hbm>> -> memref<2097152xf32, #tpu.memory_space<hbm>>
    tpu.enqueue_indirect_dma source(%dma_start3A_176 : memref<2097152xf32, #tpu.memory_space<hbm>>) target(%arg16 : memref<128xf32, #tpu.memory_space<vmem>>) offsets(%arg12 : memref<128xi32, #tpu.memory_space<vmem>>) semaphore(%arg26 : memref<!tpu.dma_semaphore, #tpu.memory_space<semaphore_mem>>)
    %dma_start3A_177 = arith.constant 0 : i32
    %dma_start3A_178 = tpu.memref_slice %arg2[%dma_start3A_177] : memref<2097152xf32, #tpu.memory_space<hbm>> -> memref<2097152xf32, #tpu.memory_space<hbm>>
    tpu.enqueue_indirect_dma source(%dma_start3A_178 : memref<2097152xf32, #tpu.memory_space<hbm>>) target(%arg17 : memref<128xf32, #tpu.memory_space<vmem>>) offsets(%arg13 : memref<128xi32, #tpu.memory_space<vmem>>) semaphore(%arg27 : memref<!tpu.dma_semaphore, #tpu.memory_space<semaphore_mem>>)
    %dma_wait3A_179 = arith.constant 0 : i32
    %dma_wait3A_180 = tpu.memref_slice %arg4[%add3A_11, %dma_wait3A_179] : memref<64x128xi32, #tpu.memory_space<hbm>> -> memref<1x128xi32, #tpu.memory_space<hbm>>
    %dma_wait3A_181 = tpu.memref_squeeze %dma_wait3A_180 : memref<1x128xi32, #tpu.memory_space<hbm>> -> memref<128xi32, #tpu.memory_space<hbm>>
    %dma_wait3A_182 = arith.constant 0 : i32
    %dma_wait3A_183 = tpu.memref_slice %arg4[%add3A_11, %dma_wait3A_182] : memref<64x128xi32, #tpu.memory_space<hbm>> -> memref<1x128xi32, #tpu.memory_space<hbm>>
    %dma_wait3A_184 = tpu.memref_squeeze %dma_wait3A_183 : memref<1x128xi32, #tpu.memory_space<hbm>> -> memref<128xi32, #tpu.memory_space<hbm>>
    tpu.wait_dma2 semaphore(%arg22 : memref<!tpu.dma_semaphore, #tpu.memory_space<semaphore_mem>>) src(%dma_wait3A_184 : memref<128xi32, #tpu.memory_space<hbm>>) dst(%arg8 : memref<128xi32, #tpu.memory_space<vmem>>)
    %add3A_185 = arith.constant 1 : i32
    %add3A_186 = arith.addi %mul3A_2, %add3A_185 : i32
    %mul3A_187 = arith.constant 32768 : i32
    %mul3A_188 = arith.muli %add3A_186, %mul3A_187 : i32
    %get3A_189 = arith.constant 0 : index
    %get3A_190 = tpu.vector_load %arg8[%get3A_189] {strides = array<i32>} : memref<128xi32, #tpu.memory_space<vmem>>, vector<16xi32>,
    %get3A_191 = vector.shape_cast %get3A_190 : vector<16xi32> to vector<16xi32>
    %add3A_192 = vector.broadcast %mul3A_188 : i32 to vector<16xi32>
    %add3A_193 = arith.addi %get3A_191, %add3A_192 : vector<16xi32>
    %swap3A_194 = arith.constant 0 : index
    %swap3A_195 = tpu.vector_load %arg14[%swap3A_194] {strides = array<i32>} : memref<128xi32, #tpu.memory_space<vmem>>, vector<16xi32>,
    %swap3A_196 = vector.shape_cast %swap3A_195 : vector<16xi32> to vector<16xi32>
    %swap3A_197 = vector.shape_cast %add3A_193 : vector<16xi32> to vector<16xi32>
    tpu.vector_store %arg14[%swap3A_194], %swap3A_197 {strides = array<i32>} : memref<128xi32, #tpu.memory_space<vmem>>, vector<16xi32>,
    %add3A_198 = arith.constant 16384 : i32
    %add3A_199 = vector.broadcast %add3A_198 : i32 to vector<16xi32>
    %add3A_200 = arith.addi %add3A_193, %add3A_199 : vector<16xi32>
    %swap3A_201 = arith.constant 0 : index
    %swap3A_202 = tpu.vector_load %arg15[%swap3A_201] {strides = array<i32>} : memref<128xi32, #tpu.memory_space<vmem>>, vector<16xi32>,
    %swap3A_203 = vector.shape_cast %swap3A_202 : vector<16xi32> to vector<16xi32>
    %swap3A_204 = vector.shape_cast %add3A_200 : vector<16xi32> to vector<16xi32>
    tpu.vector_store %arg15[%swap3A_201], %swap3A_204 {strides = array<i32>} : memref<128xi32, #tpu.memory_space<vmem>>, vector<16xi32>,
    %get3A_205 = arith.constant 16 : index
    %get3A_206 = tpu.vector_load %arg8[%get3A_205] {strides = array<i32>} : memref<128xi32, #tpu.memory_space<vmem>>, vector<16xi32>,
    %get3A_207 = vector.shape_cast %get3A_206 : vector<16xi32> to vector<16xi32>
    %add3A_208 = vector.broadcast %mul3A_188 : i32 to vector<16xi32>
    %add3A_209 = arith.addi %get3A_207, %add3A_208 : vector<16xi32>
    %swap3A_210 = arith.constant 16 : index
    %swap3A_211 = tpu.vector_load %arg14[%swap3A_210] {strides = array<i32>} : memref<128xi32, #tpu.memory_space<vmem>>, vector<16xi32>,
    %swap3A_212 = vector.shape_cast %swap3A_211 : vector<16xi32> to vector<16xi32>
    %swap3A_213 = vector.shape_cast %add3A_209 : vector<16xi32> to vector<16xi32>
    tpu.vector_store %arg14[%swap3A_210], %swap3A_213 {strides = array<i32>} : memref<128xi32, #tpu.memory_space<vmem>>, vector<16xi32>,
    %add3A_214 = arith.constant 16384 : i32
    %add3A_215 = vector.broadcast %add3A_214 : i32 to vector<16xi32>
    %add3A_216 = arith.addi %add3A_209, %add3A_215 : vector<16xi32>
    %swap3A_217 = arith.constant 16 : index
    %swap3A_218 = tpu.vector_load %arg15[%swap3A_217] {strides = array<i32>} : memref<128xi32, #tpu.memory_space<vmem>>, vector<16xi32>,
    %swap3A_219 = vector.shape_cast %swap3A_218 : vector<16xi32> to vector<16xi32>
    %swap3A_220 = vector.shape_cast %add3A_216 : vector<16xi32> to vector<16xi32>
    tpu.vector_store %arg15[%swap3A_217], %swap3A_220 {strides = array<i32>} : memref<128xi32, #tpu.memory_space<vmem>>, vector<16xi32>,
    %get3A_221 = arith.constant 32 : index
    %get3A_222 = tpu.vector_load %arg8[%get3A_221] {strides = array<i32>} : memref<128xi32, #tpu.memory_space<vmem>>, vector<16xi32>,
    %get3A_223 = vector.shape_cast %get3A_222 : vector<16xi32> to vector<16xi32>
    %add3A_224 = vector.broadcast %mul3A_188 : i32 to vector<16xi32>
    %add3A_225 = arith.addi %get3A_223, %add3A_224 : vector<16xi32>
    %swap3A_226 = arith.constant 32 : index
    %swap3A_227 = tpu.vector_load %arg14[%swap3A_226] {strides = array<i32>} : memref<128xi32, #tpu.memory_space<vmem>>, vector<16xi32>,
    %swap3A_228 = vector.shape_cast %swap3A_227 : vector<16xi32> to vector<16xi32>
    %swap3A_229 = vector.shape_cast %add3A_225 : vector<16xi32> to vector<16xi32>
    tpu.vector_store %arg14[%swap3A_226], %swap3A_229 {strides = array<i32>} : memref<128xi32, #tpu.memory_space<vmem>>, vector<16xi32>,
    %add3A_230 = arith.constant 16384 : i32
    %add3A_231 = vector.broadcast %add3A_230 : i32 to vector<16xi32>
    %add3A_232 = arith.addi %add3A_225, %add3A_231 : vector<16xi32>
    %swap3A_233 = arith.constant 32 : index
    %swap3A_234 = tpu.vector_load %arg15[%swap3A_233] {strides = array<i32>} : memref<128xi32, #tpu.memory_space<vmem>>, vector<16xi32>,
    %swap3A_235 = vector.shape_cast %swap3A_234 : vector<16xi32> to vector<16xi32>
    %swap3A_236 = vector.shape_cast %add3A_232 : vector<16xi32> to vector<16xi32>
    tpu.vector_store %arg15[%swap3A_233], %swap3A_236 {strides = array<i32>} : memref<128xi32, #tpu.memory_space<vmem>>, vector<16xi32>,
    %get3A_237 = arith.constant 48 : index
    %get3A_238 = tpu.vector_load %arg8[%get3A_237] {strides = array<i32>} : memref<128xi32, #tpu.memory_space<vmem>>, vector<16xi32>,
    %get3A_239 = vector.shape_cast %get3A_238 : vector<16xi32> to vector<16xi32>
    %add3A_240 = vector.broadcast %mul3A_188 : i32 to vector<16xi32>
    %add3A_241 = arith.addi %get3A_239, %add3A_240 : vector<16xi32>
    %swap3A_242 = arith.constant 48 : index
    %swap3A_243 = tpu.vector_load %arg14[%swap3A_242] {strides = array<i32>} : memref<128xi32, #tpu.memory_space<vmem>>, vector<16xi32>,
    %swap3A_244 = vector.shape_cast %swap3A_243 : vector<16xi32> to vector<16xi32>
    %swap3A_245 = vector.shape_cast %add3A_241 : vector<16xi32> to vector<16xi32>
    tpu.vector_store %arg14[%swap3A_242], %swap3A_245 {strides = array<i32>} : memref<128xi32, #tpu.memory_space<vmem>>, vector<16xi32>,
    %add3A_246 = arith.constant 16384 : i32
    %add3A_247 = vector.broadcast %add3A_246 : i32 to vector<16xi32>
    %add3A_248 = arith.addi %add3A_241, %add3A_247 : vector<16xi32>
    %swap3A_249 = arith.constant 48 : index
    %swap3A_250 = tpu.vector_load %arg15[%swap3A_249] {strides = array<i32>} : memref<128xi32, #tpu.memory_space<vmem>>, vector<16xi32>,
    %swap3A_251 = vector.shape_cast %swap3A_250 : vector<16xi32> to vector<16xi32>
    %swap3A_252 = vector.shape_cast %add3A_248 : vector<16xi32> to vector<16xi32>
    tpu.vector_store %arg15[%swap3A_249], %swap3A_252 {strides = array<i32>} : memref<128xi32, #tpu.memory_space<vmem>>, vector<16xi32>,
    %get3A_253 = arith.constant 64 : index
    %get3A_254 = tpu.vector_load %arg8[%get3A_253] {strides = array<i32>} : memref<128xi32, #tpu.memory_space<vmem>>, vector<16xi32>,
    %get3A_255 = vector.shape_cast %get3A_254 : vector<16xi32> to vector<16xi32>
    %add3A_256 = vector.broadcast %mul3A_188 : i32 to vector<16xi32>
    %add3A_257 = arith.addi %get3A_255, %add3A_256 : vector<16xi32>
    %swap3A_258 = arith.constant 64 : index
    %swap3A_259 = tpu.vector_load %arg14[%swap3A_258] {strides = array<i32>} : memref<128xi32, #tpu.memory_space<vmem>>, vector<16xi32>,
    %swap3A_260 = vector.shape_cast %swap3A_259 : vector<16xi32> to vector<16xi32>
    %swap3A_261 = vector.shape_cast %add3A_257 : vector<16xi32> to vector<16xi32>
    tpu.vector_store %arg14[%swap3A_258], %swap3A_261 {strides = array<i32>} : memref<128xi32, #tpu.memory_space<vmem>>, vector<16xi32>,
    %add3A_262 = arith.constant 16384 : i32
    %add3A_263 = vector.broadcast %add3A_262 : i32 to vector<16xi32>
    %add3A_264 = arith.addi %add3A_257, %add3A_263 : vector<16xi32>
    %swap3A_265 = arith.constant 64 : index
    %swap3A_266 = tpu.vector_load %arg15[%swap3A_265] {strides = array<i32>} : memref<128xi32, #tpu.memory_space<vmem>>, vector<16xi32>,
    %swap3A_267 = vector.shape_cast %swap3A_266 : vector<16xi32> to vector<16xi32>
    %swap3A_268 = vector.shape_cast %add3A_264 : vector<16xi32> to vector<16xi32>
    tpu.vector_store %arg15[%swap3A_265], %swap3A_268 {strides = array<i32>} : memref<128xi32, #tpu.memory_space<vmem>>, vector<16xi32>,
    %get3A_269 = arith.constant 80 : index
    %get3A_270 = tpu.vector_load %arg8[%get3A_269] {strides = array<i32>} : memref<128xi32, #tpu.memory_space<vmem>>, vector<16xi32>,
    %get3A_271 = vector.shape_cast %get3A_270 : vector<16xi32> to vector<16xi32>
    %add3A_272 = vector.broadcast %mul3A_188 : i32 to vector<16xi32>
    %add3A_273 = arith.addi %get3A_271, %add3A_272 : vector<16xi32>
    %swap3A_274 = arith.constant 80 : index
    %swap3A_275 = tpu.vector_load %arg14[%swap3A_274] {strides = array<i32>} : memref<128xi32, #tpu.memory_space<vmem>>, vector<16xi32>,
    %swap3A_276 = vector.shape_cast %swap3A_275 : vector<16xi32> to vector<16xi32>
    %swap3A_277 = vector.shape_cast %add3A_273 : vector<16xi32> to vector<16xi32>
    tpu.vector_store %arg14[%swap3A_274], %swap3A_277 {strides = array<i32>} : memref<128xi32, #tpu.memory_space<vmem>>, vector<16xi32>,
    %add3A_278 = arith.constant 16384 : i32
    %add3A_279 = vector.broadcast %add3A_278 : i32 to vector<16xi32>
    %add3A_280 = arith.addi %add3A_273, %add3A_279 : vector<16xi32>
    %swap3A_281 = arith.constant 80 : index
    %swap3A_282 = tpu.vector_load %arg15[%swap3A_281] {strides = array<i32>} : memref<128xi32, #tpu.memory_space<vmem>>, vector<16xi32>,
    %swap3A_283 = vector.shape_cast %swap3A_282 : vector<16xi32> to vector<16xi32>
    %swap3A_284 = vector.shape_cast %add3A_280 : vector<16xi32> to vector<16xi32>
    tpu.vector_store %arg15[%swap3A_281], %swap3A_284 {strides = array<i32>} : memref<128xi32, #tpu.memory_space<vmem>>, vector<16xi32>,
    %get3A_285 = arith.constant 96 : index
    %get3A_286 = tpu.vector_load %arg8[%get3A_285] {strides = array<i32>} : memref<128xi32, #tpu.memory_space<vmem>>, vector<16xi32>,
    %get3A_287 = vector.shape_cast %get3A_286 : vector<16xi32> to vector<16xi32>
    %add3A_288 = vector.broadcast %mul3A_188 : i32 to vector<16xi32>
    %add3A_289 = arith.addi %get3A_287, %add3A_288 : vector<16xi32>
    %swap3A_290 = arith.constant 96 : index
    %swap3A_291 = tpu.vector_load %arg14[%swap3A_290] {strides = array<i32>} : memref<128xi32, #tpu.memory_space<vmem>>, vector<16xi32>,
    %swap3A_292 = vector.shape_cast %swap3A_291 : vector<16xi32> to vector<16xi32>
    %swap3A_293 = vector.shape_cast %add3A_289 : vector<16xi32> to vector<16xi32>
    tpu.vector_store %arg14[%swap3A_290], %swap3A_293 {strides = array<i32>} : memref<128xi32, #tpu.memory_space<vmem>>, vector<16xi32>,
    %add3A_294 = arith.constant 16384 : i32
    %add3A_295 = vector.broadcast %add3A_294 : i32 to vector<16xi32>
    %add3A_296 = arith.addi %add3A_289, %add3A_295 : vector<16xi32>
    %swap3A_297 = arith.constant 96 : index
    %swap3A_298 = tpu.vector_load %arg15[%swap3A_297] {strides = array<i32>} : memref<128xi32, #tpu.memory_space<vmem>>, vector<16xi32>,
    %swap3A_299 = vector.shape_cast %swap3A_298 : vector<16xi32> to vector<16xi32>
    %swap3A_300 = vector.shape_cast %add3A_296 : vector<16xi32> to vector<16xi32>
    tpu.vector_store %arg15[%swap3A_297], %swap3A_300 {strides = array<i32>} : memref<128xi32, #tpu.memory_space<vmem>>, vector<16xi32>,
    %get3A_301 = arith.constant 112 : index
    %get3A_302 = tpu.vector_load %arg8[%get3A_301] {strides = array<i32>} : memref<128xi32, #tpu.memory_space<vmem>>, vector<16xi32>,
    %get3A_303 = vector.shape_cast %get3A_302 : vector<16xi32> to vector<16xi32>
    %add3A_304 = vector.broadcast %mul3A_188 : i32 to vector<16xi32>
    %add3A_305 = arith.addi %get3A_303, %add3A_304 : vector<16xi32>
    %swap3A_306 = arith.constant 112 : index
    %swap3A_307 = tpu.vector_load %arg14[%swap3A_306] {strides = array<i32>} : memref<128xi32, #tpu.memory_space<vmem>>, vector<16xi32>,
    %swap3A_308 = vector.shape_cast %swap3A_307 : vector<16xi32> to vector<16xi32>
    %swap3A_309 = vector.shape_cast %add3A_305 : vector<16xi32> to vector<16xi32>
    tpu.vector_store %arg14[%swap3A_306], %swap3A_309 {strides = array<i32>} : memref<128xi32, #tpu.memory_space<vmem>>, vector<16xi32>,
    %add3A_310 = arith.constant 16384 : i32
    %add3A_311 = vector.broadcast %add3A_310 : i32 to vector<16xi32>
    %add3A_312 = arith.addi %add3A_305, %add3A_311 : vector<16xi32>
    %swap3A_313 = arith.constant 112 : index
    %swap3A_314 = tpu.vector_load %arg15[%swap3A_313] {strides = array<i32>} : memref<128xi32, #tpu.memory_space<vmem>>, vector<16xi32>,
    %swap3A_315 = vector.shape_cast %swap3A_314 : vector<16xi32> to vector<16xi32>
    %swap3A_316 = vector.shape_cast %add3A_312 : vector<16xi32> to vector<16xi32>
    tpu.vector_store %arg15[%swap3A_313], %swap3A_316 {strides = array<i32>} : memref<128xi32, #tpu.memory_space<vmem>>, vector<16xi32>,
    %dma_start3A_317 = arith.constant 0 : i32
    %dma_start3A_318 = tpu.memref_slice %arg2[%dma_start3A_317] : memref<2097152xf32, #tpu.memory_space<hbm>> -> memref<2097152xf32, #tpu.memory_space<hbm>>
    tpu.enqueue_indirect_dma source(%dma_start3A_318 : memref<2097152xf32, #tpu.memory_space<hbm>>) target(%arg18 : memref<128xf32, #tpu.memory_space<vmem>>) offsets(%arg14 : memref<128xi32, #tpu.memory_space<vmem>>) semaphore(%arg28 : memref<!tpu.dma_semaphore, #tpu.memory_space<semaphore_mem>>)
    %dma_start3A_319 = arith.constant 0 : i32
    %dma_start3A_320 = tpu.memref_slice %arg2[%dma_start3A_319] : memref<2097152xf32, #tpu.memory_space<hbm>> -> memref<2097152xf32, #tpu.memory_space<hbm>>
    tpu.enqueue_indirect_dma source(%dma_start3A_320 : memref<2097152xf32, #tpu.memory_space<hbm>>) target(%arg19 : memref<128xf32, #tpu.memory_space<vmem>>) offsets(%arg15 : memref<128xi32, #tpu.memory_space<vmem>>) semaphore(%arg29 : memref<!tpu.dma_semaphore, #tpu.memory_space<semaphore_mem>>)
    %dma_wait3A_321 = arith.constant 0 : i32
    %dma_wait3A_322 = tpu.memref_slice %arg3[%add3A_19, %dma_wait3A_321] : memref<64x128xi32, #tpu.memory_space<hbm>> -> memref<1x128xi32, #tpu.memory_space<hbm>>
    %dma_wait3A_323 = tpu.memref_squeeze %dma_wait3A_322 : memref<1x128xi32, #tpu.memory_space<hbm>> -> memref<128xi32, #tpu.memory_space<hbm>>
    %dma_wait3A_324 = arith.constant 0 : i32
    %dma_wait3A_325 = tpu.memref_slice %arg3[%add3A_19, %dma_wait3A_324] : memref<64x128xi32, #tpu.memory_space<hbm>> -> memref<1x128xi32, #tpu.memory_space<hbm>>
    %dma_wait3A_326 = tpu.memref_squeeze %dma_wait3A_325 : memref<1x128xi32, #tpu.memory_space<hbm>> -> memref<128xi32, #tpu.memory_space<hbm>>
    tpu.wait_dma2 semaphore(%arg23 : memref<!tpu.dma_semaphore, #tpu.memory_space<semaphore_mem>>) src(%dma_wait3A_326 : memref<128xi32, #tpu.memory_space<hbm>>) dst(%arg9 : memref<128xi32, #tpu.memory_space<vmem>>)
    %dma_wait3A_327 = arith.constant 0 : i32
    %dma_wait3A_328 = tpu.memref_slice %arg3[%add3A_27, %dma_wait3A_327] : memref<64x128xi32, #tpu.memory_space<hbm>> -> memref<1x128xi32, #tpu.memory_space<hbm>>
    %dma_wait3A_329 = tpu.memref_squeeze %dma_wait3A_328 : memref<1x128xi32, #tpu.memory_space<hbm>> -> memref<128xi32, #tpu.memory_space<hbm>>
    %dma_wait3A_330 = arith.constant 0 : i32
    %dma_wait3A_331 = tpu.memref_slice %arg3[%add3A_27, %dma_wait3A_330] : memref<64x128xi32, #tpu.memory_space<hbm>> -> memref<1x128xi32, #tpu.memory_space<hbm>>
    %dma_wait3A_332 = tpu.memref_squeeze %dma_wait3A_331 : memref<1x128xi32, #tpu.memory_space<hbm>> -> memref<128xi32, #tpu.memory_space<hbm>>
    tpu.wait_dma2 semaphore(%arg24 : memref<!tpu.dma_semaphore, #tpu.memory_space<semaphore_mem>>) src(%dma_wait3A_332 : memref<128xi32, #tpu.memory_space<hbm>>) dst(%arg10 : memref<128xi32, #tpu.memory_space<vmem>>)
    %dma_wait3A_333 = arith.constant 0 : i32
    %dma_wait3A_334 = tpu.memref_slice %arg5[%add3A, %dma_wait3A_333] : memref<32x512xf32, #tpu.memory_space<hbm>> -> memref<1x512xf32, #tpu.memory_space<hbm>>
    %dma_wait3A_335 = tpu.memref_squeeze %dma_wait3A_334 : memref<1x512xf32, #tpu.memory_space<hbm>> -> memref<512xf32, #tpu.memory_space<hbm>>
    %dma_wait3A_336 = arith.constant 0 : i32
    %dma_wait3A_337 = tpu.memref_slice %arg5[%add3A, %dma_wait3A_336] : memref<32x512xf32, #tpu.memory_space<hbm>> -> memref<1x512xf32, #tpu.memory_space<hbm>>
    %dma_wait3A_338 = tpu.memref_squeeze %dma_wait3A_337 : memref<1x512xf32, #tpu.memory_space<hbm>> -> memref<512xf32, #tpu.memory_space<hbm>>
    tpu.wait_dma2 semaphore(%arg25 : memref<!tpu.dma_semaphore, #tpu.memory_space<semaphore_mem>>) src(%dma_wait3A_338 : memref<512xf32, #tpu.memory_space<hbm>>) dst(%arg11 : memref<512xf32, #tpu.memory_space<vmem>>)
    %dma_wait3A_339 = arith.constant 0 : i32
    %dma_wait3A_340 = tpu.memref_slice %arg2[%dma_wait3A_339] : memref<2097152xf32, #tpu.memory_space<hbm>> -> memref<2097152xf32, #tpu.memory_space<hbm>>
    tpu.wait_indirect_dma semaphore(%arg26 : memref<!tpu.dma_semaphore, #tpu.memory_space<semaphore_mem>>) src(%dma_wait3A_340 : memref<2097152xf32, #tpu.memory_space<hbm>>) dst(%arg16 : memref<128xf32, #tpu.memory_space<vmem>>)
    %dma_wait3A_341 = arith.constant 0 : i32
    %dma_wait3A_342 = tpu.memref_slice %arg2[%dma_wait3A_341] : memref<2097152xf32, #tpu.memory_space<hbm>> -> memref<2097152xf32, #tpu.memory_space<hbm>>
    tpu.wait_indirect_dma semaphore(%arg27 : memref<!tpu.dma_semaphore, #tpu.memory_space<semaphore_mem>>) src(%dma_wait3A_342 : memref<2097152xf32, #tpu.memory_space<hbm>>) dst(%arg17 : memref<128xf32, #tpu.memory_space<vmem>>)
    %dma_wait3A_343 = arith.constant 0 : i32
    %dma_wait3A_344 = tpu.memref_slice %arg2[%dma_wait3A_343] : memref<2097152xf32, #tpu.memory_space<hbm>> -> memref<2097152xf32, #tpu.memory_space<hbm>>
    tpu.wait_indirect_dma semaphore(%arg28 : memref<!tpu.dma_semaphore, #tpu.memory_space<semaphore_mem>>) src(%dma_wait3A_344 : memref<2097152xf32, #tpu.memory_space<hbm>>) dst(%arg18 : memref<128xf32, #tpu.memory_space<vmem>>)
    %dma_wait3A_345 = arith.constant 0 : i32
    %dma_wait3A_346 = tpu.memref_slice %arg2[%dma_wait3A_345] : memref<2097152xf32, #tpu.memory_space<hbm>> -> memref<2097152xf32, #tpu.memory_space<hbm>>
    tpu.wait_indirect_dma semaphore(%arg29 : memref<!tpu.dma_semaphore, #tpu.memory_space<semaphore_mem>>) src(%dma_wait3A_346 : memref<2097152xf32, #tpu.memory_space<hbm>>) dst(%arg19 : memref<128xf32, #tpu.memory_space<vmem>>)
    %broadcast_in_dim3A = arith.constant 0.000000e+00 : f32
    %broadcast_in_dim3A_347 = vector.broadcast %broadcast_in_dim3A : f32 to vector<16xf32>
    %broadcast_in_dim3A_348 = arith.constant 0.000000e+00 : f32
    %broadcast_in_dim3A_349 = vector.broadcast %broadcast_in_dim3A_348 : f32 to vector<16xf32>
    %get3A_350 = arith.constant 0 : index
    %get3A_351 = tpu.vector_load %arg9[%get3A_350] {strides = array<i32>} : memref<128xi32, #tpu.memory_space<vmem>>, vector<16xi32>,
    %get3A_352 = vector.shape_cast %get3A_351 : vector<16xi32> to vector<16xi32>
    %convert_element_type3A = arith.sitofp %get3A_352 : vector<16xi32> to vector<16xf32>
    %get3A_353 = arith.constant 0 : index
    %get3A_354 = tpu.vector_load %arg16[%get3A_353] {strides = array<i32>} : memref<128xf32, #tpu.memory_space<vmem>>, vector<16xf32>,
    %get3A_355 = vector.shape_cast %get3A_354 : vector<16xf32> to vector<16xf32>
    %get3A_356 = arith.constant 0 : index
    %get3A_357 = tpu.vector_load %arg11[%get3A_356] {strides = array<i32>} : memref<512xf32, #tpu.memory_space<vmem>>, vector<16xf32>,
    %get3A_358 = vector.shape_cast %get3A_357 : vector<16xf32> to vector<16xf32>
    %sub3A = arith.subf %get3A_355, %get3A_358 : vector<16xf32>
    %abs3A = math.absf %sub3A : vector<16xf32>
    %get3A_359 = arith.constant 0 : index
    %get3A_360 = tpu.vector_load %arg17[%get3A_359] {strides = array<i32>} : memref<128xf32, #tpu.memory_space<vmem>>, vector<16xf32>,
    %get3A_361 = vector.shape_cast %get3A_360 : vector<16xf32> to vector<16xf32>
    %get3A_362 = arith.constant 128 : index
    %get3A_363 = tpu.vector_load %arg11[%get3A_362] {strides = array<i32>} : memref<512xf32, #tpu.memory_space<vmem>>, vector<16xf32>,
    %get3A_364 = vector.shape_cast %get3A_363 : vector<16xf32> to vector<16xf32>
    %sub3A_365 = arith.subf %get3A_361, %get3A_364 : vector<16xf32>
    %abs3A_366 = math.absf %sub3A_365 : vector<16xf32>
    %add3A_367 = arith.addf %abs3A, %abs3A_366 : vector<16xf32>
    %mul3A_368 = arith.mulf %add3A_367, %convert_element_type3A : vector<16xf32>
    %add3A_369 = arith.addf %broadcast_in_dim3A_347, %mul3A_368 : vector<16xf32>
    %add3A_370 = arith.addf %broadcast_in_dim3A_349, %convert_element_type3A : vector<16xf32>
    %get3A_371 = arith.constant 16 : index
    %get3A_372 = tpu.vector_load %arg9[%get3A_371] {strides = array<i32>} : memref<128xi32, #tpu.memory_space<vmem>>, vector<16xi32>,
    %get3A_373 = vector.shape_cast %get3A_372 : vector<16xi32> to vector<16xi32>
    %convert_element_type3A_374 = arith.sitofp %get3A_373 : vector<16xi32> to vector<16xf32>
    %get3A_375 = arith.constant 16 : index
    %get3A_376 = tpu.vector_load %arg16[%get3A_375] {strides = array<i32>} : memref<128xf32, #tpu.memory_space<vmem>>, vector<16xf32>,
    %get3A_377 = vector.shape_cast %get3A_376 : vector<16xf32> to vector<16xf32>
    %get3A_378 = arith.constant 16 : index
    %get3A_379 = tpu.vector_load %arg11[%get3A_378] {strides = array<i32>} : memref<512xf32, #tpu.memory_space<vmem>>, vector<16xf32>,
    %get3A_380 = vector.shape_cast %get3A_379 : vector<16xf32> to vector<16xf32>
    %sub3A_381 = arith.subf %get3A_377, %get3A_380 : vector<16xf32>
    %abs3A_382 = math.absf %sub3A_381 : vector<16xf32>
    %get3A_383 = arith.constant 16 : index
    %get3A_384 = tpu.vector_load %arg17[%get3A_383] {strides = array<i32>} : memref<128xf32, #tpu.memory_space<vmem>>, vector<16xf32>,
    %get3A_385 = vector.shape_cast %get3A_384 : vector<16xf32> to vector<16xf32>
    %get3A_386 = arith.constant 144 : index
    %get3A_387 = tpu.vector_load %arg11[%get3A_386] {strides = array<i32>} : memref<512xf32, #tpu.memory_space<vmem>>, vector<16xf32>,
    %get3A_388 = vector.shape_cast %get3A_387 : vector<16xf32> to vector<16xf32>
    %sub3A_389 = arith.subf %get3A_385, %get3A_388 : vector<16xf32>
    %abs3A_390 = math.absf %sub3A_389 : vector<16xf32>
    %add3A_391 = arith.addf %abs3A_382, %abs3A_390 : vector<16xf32>
    %mul3A_392 = arith.mulf %add3A_391, %convert_element_type3A_374 : vector<16xf32>
    %add3A_393 = arith.addf %add3A_369, %mul3A_392 : vector<16xf32>
    %add3A_394 = arith.addf %add3A_370, %convert_element_type3A_374 : vector<16xf32>
    %get3A_395 = arith.constant 32 : index
    %get3A_396 = tpu.vector_load %arg9[%get3A_395] {strides = array<i32>} : memref<128xi32, #tpu.memory_space<vmem>>, vector<16xi32>,
    %get3A_397 = vector.shape_cast %get3A_396 : vector<16xi32> to vector<16xi32>
    %convert_element_type3A_398 = arith.sitofp %get3A_397 : vector<16xi32> to vector<16xf32>
    %get3A_399 = arith.constant 32 : index
    %get3A_400 = tpu.vector_load %arg16[%get3A_399] {strides = array<i32>} : memref<128xf32, #tpu.memory_space<vmem>>, vector<16xf32>,
    %get3A_401 = vector.shape_cast %get3A_400 : vector<16xf32> to vector<16xf32>
    %get3A_402 = arith.constant 32 : index
    %get3A_403 = tpu.vector_load %arg11[%get3A_402] {strides = array<i32>} : memref<512xf32, #tpu.memory_space<vmem>>, vector<16xf32>,
    %get3A_404 = vector.shape_cast %get3A_403 : vector<16xf32> to vector<16xf32>
    %sub3A_405 = arith.subf %get3A_401, %get3A_404 : vector<16xf32>
    %abs3A_406 = math.absf %sub3A_405 : vector<16xf32>
    %get3A_407 = arith.constant 32 : index
    %get3A_408 = tpu.vector_load %arg17[%get3A_407] {strides = array<i32>} : memref<128xf32, #tpu.memory_space<vmem>>, vector<16xf32>,
    %get3A_409 = vector.shape_cast %get3A_408 : vector<16xf32> to vector<16xf32>
    %get3A_410 = arith.constant 160 : index
    %get3A_411 = tpu.vector_load %arg11[%get3A_410] {strides = array<i32>} : memref<512xf32, #tpu.memory_space<vmem>>, vector<16xf32>,
    %get3A_412 = vector.shape_cast %get3A_411 : vector<16xf32> to vector<16xf32>
    %sub3A_413 = arith.subf %get3A_409, %get3A_412 : vector<16xf32>
    %abs3A_414 = math.absf %sub3A_413 : vector<16xf32>
    %add3A_415 = arith.addf %abs3A_406, %abs3A_414 : vector<16xf32>
    %mul3A_416 = arith.mulf %add3A_415, %convert_element_type3A_398 : vector<16xf32>
    %add3A_417 = arith.addf %add3A_393, %mul3A_416 : vector<16xf32>
    %add3A_418 = arith.addf %add3A_394, %convert_element_type3A_398 : vector<16xf32>
    %get3A_419 = arith.constant 48 : index
    %get3A_420 = tpu.vector_load %arg9[%get3A_419] {strides = array<i32>} : memref<128xi32, #tpu.memory_space<vmem>>, vector<16xi32>,
    %get3A_421 = vector.shape_cast %get3A_420 : vector<16xi32> to vector<16xi32>
    %convert_element_type3A_422 = arith.sitofp %get3A_421 : vector<16xi32> to vector<16xf32>
    %get3A_423 = arith.constant 48 : index
    %get3A_424 = tpu.vector_load %arg16[%get3A_423] {strides = array<i32>} : memref<128xf32, #tpu.memory_space<vmem>>, vector<16xf32>,
    %get3A_425 = vector.shape_cast %get3A_424 : vector<16xf32> to vector<16xf32>
    %get3A_426 = arith.constant 48 : index
    %get3A_427 = tpu.vector_load %arg11[%get3A_426] {strides = array<i32>} : memref<512xf32, #tpu.memory_space<vmem>>, vector<16xf32>,
    %get3A_428 = vector.shape_cast %get3A_427 : vector<16xf32> to vector<16xf32>
    %sub3A_429 = arith.subf %get3A_425, %get3A_428 : vector<16xf32>
    %abs3A_430 = math.absf %sub3A_429 : vector<16xf32>
    %get3A_431 = arith.constant 48 : index
    %get3A_432 = tpu.vector_load %arg17[%get3A_431] {strides = array<i32>} : memref<128xf32, #tpu.memory_space<vmem>>, vector<16xf32>,
    %get3A_433 = vector.shape_cast %get3A_432 : vector<16xf32> to vector<16xf32>
    %get3A_434 = arith.constant 176 : index
    %get3A_435 = tpu.vector_load %arg11[%get3A_434] {strides = array<i32>} : memref<512xf32, #tpu.memory_space<vmem>>, vector<16xf32>,
    %get3A_436 = vector.shape_cast %get3A_435 : vector<16xf32> to vector<16xf32>
    %sub3A_437 = arith.subf %get3A_433, %get3A_436 : vector<16xf32>
    %abs3A_438 = math.absf %sub3A_437 : vector<16xf32>
    %add3A_439 = arith.addf %abs3A_430, %abs3A_438 : vector<16xf32>
    %mul3A_440 = arith.mulf %add3A_439, %convert_element_type3A_422 : vector<16xf32>
    %add3A_441 = arith.addf %add3A_417, %mul3A_440 : vector<16xf32>
    %add3A_442 = arith.addf %add3A_418, %convert_element_type3A_422 : vector<16xf32>
    %get3A_443 = arith.constant 64 : index
    %get3A_444 = tpu.vector_load %arg9[%get3A_443] {strides = array<i32>} : memref<128xi32, #tpu.memory_space<vmem>>, vector<16xi32>,
    %get3A_445 = vector.shape_cast %get3A_444 : vector<16xi32> to vector<16xi32>
    %convert_element_type3A_446 = arith.sitofp %get3A_445 : vector<16xi32> to vector<16xf32>
    %get3A_447 = arith.constant 64 : index
    %get3A_448 = tpu.vector_load %arg16[%get3A_447] {strides = array<i32>} : memref<128xf32, #tpu.memory_space<vmem>>, vector<16xf32>,
    %get3A_449 = vector.shape_cast %get3A_448 : vector<16xf32> to vector<16xf32>
    %get3A_450 = arith.constant 64 : index
    %get3A_451 = tpu.vector_load %arg11[%get3A_450] {strides = array<i32>} : memref<512xf32, #tpu.memory_space<vmem>>, vector<16xf32>,
    %get3A_452 = vector.shape_cast %get3A_451 : vector<16xf32> to vector<16xf32>
    %sub3A_453 = arith.subf %get3A_449, %get3A_452 : vector<16xf32>
    %abs3A_454 = math.absf %sub3A_453 : vector<16xf32>
    %get3A_455 = arith.constant 64 : index
    %get3A_456 = tpu.vector_load %arg17[%get3A_455] {strides = array<i32>} : memref<128xf32, #tpu.memory_space<vmem>>, vector<16xf32>,
    %get3A_457 = vector.shape_cast %get3A_456 : vector<16xf32> to vector<16xf32>
    %get3A_458 = arith.constant 192 : index
    %get3A_459 = tpu.vector_load %arg11[%get3A_458] {strides = array<i32>} : memref<512xf32, #tpu.memory_space<vmem>>, vector<16xf32>,
    %get3A_460 = vector.shape_cast %get3A_459 : vector<16xf32> to vector<16xf32>
    %sub3A_461 = arith.subf %get3A_457, %get3A_460 : vector<16xf32>
    %abs3A_462 = math.absf %sub3A_461 : vector<16xf32>
    %add3A_463 = arith.addf %abs3A_454, %abs3A_462 : vector<16xf32>
    %mul3A_464 = arith.mulf %add3A_463, %convert_element_type3A_446 : vector<16xf32>
    %add3A_465 = arith.addf %add3A_441, %mul3A_464 : vector<16xf32>
    %add3A_466 = arith.addf %add3A_442, %convert_element_type3A_446 : vector<16xf32>
    %get3A_467 = arith.constant 80 : index
    %get3A_468 = tpu.vector_load %arg9[%get3A_467] {strides = array<i32>} : memref<128xi32, #tpu.memory_space<vmem>>, vector<16xi32>,
    %get3A_469 = vector.shape_cast %get3A_468 : vector<16xi32> to vector<16xi32>
    %convert_element_type3A_470 = arith.sitofp %get3A_469 : vector<16xi32> to vector<16xf32>
    %get3A_471 = arith.constant 80 : index
    %get3A_472 = tpu.vector_load %arg16[%get3A_471] {strides = array<i32>} : memref<128xf32, #tpu.memory_space<vmem>>, vector<16xf32>,
    %get3A_473 = vector.shape_cast %get3A_472 : vector<16xf32> to vector<16xf32>
    %get3A_474 = arith.constant 80 : index
    %get3A_475 = tpu.vector_load %arg11[%get3A_474] {strides = array<i32>} : memref<512xf32, #tpu.memory_space<vmem>>, vector<16xf32>,
    %get3A_476 = vector.shape_cast %get3A_475 : vector<16xf32> to vector<16xf32>
    %sub3A_477 = arith.subf %get3A_473, %get3A_476 : vector<16xf32>
    %abs3A_478 = math.absf %sub3A_477 : vector<16xf32>
    %get3A_479 = arith.constant 80 : index
    %get3A_480 = tpu.vector_load %arg17[%get3A_479] {strides = array<i32>} : memref<128xf32, #tpu.memory_space<vmem>>, vector<16xf32>,
    %get3A_481 = vector.shape_cast %get3A_480 : vector<16xf32> to vector<16xf32>
    %get3A_482 = arith.constant 208 : index
    %get3A_483 = tpu.vector_load %arg11[%get3A_482] {strides = array<i32>} : memref<512xf32, #tpu.memory_space<vmem>>, vector<16xf32>,
    %get3A_484 = vector.shape_cast %get3A_483 : vector<16xf32> to vector<16xf32>
    %sub3A_485 = arith.subf %get3A_481, %get3A_484 : vector<16xf32>
    %abs3A_486 = math.absf %sub3A_485 : vector<16xf32>
    %add3A_487 = arith.addf %abs3A_478, %abs3A_486 : vector<16xf32>
    %mul3A_488 = arith.mulf %add3A_487, %convert_element_type3A_470 : vector<16xf32>
    %add3A_489 = arith.addf %add3A_465, %mul3A_488 : vector<16xf32>
    %add3A_490 = arith.addf %add3A_466, %convert_element_type3A_470 : vector<16xf32>
    %get3A_491 = arith.constant 96 : index
    %get3A_492 = tpu.vector_load %arg9[%get3A_491] {strides = array<i32>} : memref<128xi32, #tpu.memory_space<vmem>>, vector<16xi32>,
    %get3A_493 = vector.shape_cast %get3A_492 : vector<16xi32> to vector<16xi32>
    %convert_element_type3A_494 = arith.sitofp %get3A_493 : vector<16xi32> to vector<16xf32>
    %get3A_495 = arith.constant 96 : index
    %get3A_496 = tpu.vector_load %arg16[%get3A_495] {strides = array<i32>} : memref<128xf32, #tpu.memory_space<vmem>>, vector<16xf32>,
    %get3A_497 = vector.shape_cast %get3A_496 : vector<16xf32> to vector<16xf32>
    %get3A_498 = arith.constant 96 : index
    %get3A_499 = tpu.vector_load %arg11[%get3A_498] {strides = array<i32>} : memref<512xf32, #tpu.memory_space<vmem>>, vector<16xf32>,
    %get3A_500 = vector.shape_cast %get3A_499 : vector<16xf32> to vector<16xf32>
    %sub3A_501 = arith.subf %get3A_497, %get3A_500 : vector<16xf32>
    %abs3A_502 = math.absf %sub3A_501 : vector<16xf32>
    %get3A_503 = arith.constant 96 : index
    %get3A_504 = tpu.vector_load %arg17[%get3A_503] {strides = array<i32>} : memref<128xf32, #tpu.memory_space<vmem>>, vector<16xf32>,
    %get3A_505 = vector.shape_cast %get3A_504 : vector<16xf32> to vector<16xf32>
    %get3A_506 = arith.constant 224 : index
    %get3A_507 = tpu.vector_load %arg11[%get3A_506] {strides = array<i32>} : memref<512xf32, #tpu.memory_space<vmem>>, vector<16xf32>,
    %get3A_508 = vector.shape_cast %get3A_507 : vector<16xf32> to vector<16xf32>
    %sub3A_509 = arith.subf %get3A_505, %get3A_508 : vector<16xf32>
    %abs3A_510 = math.absf %sub3A_509 : vector<16xf32>
    %add3A_511 = arith.addf %abs3A_502, %abs3A_510 : vector<16xf32>
    %mul3A_512 = arith.mulf %add3A_511, %convert_element_type3A_494 : vector<16xf32>
    %add3A_513 = arith.addf %add3A_489, %mul3A_512 : vector<16xf32>
    %add3A_514 = arith.addf %add3A_490, %convert_element_type3A_494 : vector<16xf32>
    %get3A_515 = arith.constant 112 : index
    %get3A_516 = tpu.vector_load %arg9[%get3A_515] {strides = array<i32>} : memref<128xi32, #tpu.memory_space<vmem>>, vector<16xi32>,
    %get3A_517 = vector.shape_cast %get3A_516 : vector<16xi32> to vector<16xi32>
    %convert_element_type3A_518 = arith.sitofp %get3A_517 : vector<16xi32> to vector<16xf32>
    %get3A_519 = arith.constant 112 : index
    %get3A_520 = tpu.vector_load %arg16[%get3A_519] {strides = array<i32>} : memref<128xf32, #tpu.memory_space<vmem>>, vector<16xf32>,
    %get3A_521 = vector.shape_cast %get3A_520 : vector<16xf32> to vector<16xf32>
    %get3A_522 = arith.constant 112 : index
    %get3A_523 = tpu.vector_load %arg11[%get3A_522] {strides = array<i32>} : memref<512xf32, #tpu.memory_space<vmem>>, vector<16xf32>,
    %get3A_524 = vector.shape_cast %get3A_523 : vector<16xf32> to vector<16xf32>
    %sub3A_525 = arith.subf %get3A_521, %get3A_524 : vector<16xf32>
    %abs3A_526 = math.absf %sub3A_525 : vector<16xf32>
    %get3A_527 = arith.constant 112 : index
    %get3A_528 = tpu.vector_load %arg17[%get3A_527] {strides = array<i32>} : memref<128xf32, #tpu.memory_space<vmem>>, vector<16xf32>,
    %get3A_529 = vector.shape_cast %get3A_528 : vector<16xf32> to vector<16xf32>
    %get3A_530 = arith.constant 240 : index
    %get3A_531 = tpu.vector_load %arg11[%get3A_530] {strides = array<i32>} : memref<512xf32, #tpu.memory_space<vmem>>, vector<16xf32>,
    %get3A_532 = vector.shape_cast %get3A_531 : vector<16xf32> to vector<16xf32>
    %sub3A_533 = arith.subf %get3A_529, %get3A_532 : vector<16xf32>
    %abs3A_534 = math.absf %sub3A_533 : vector<16xf32>
    %add3A_535 = arith.addf %abs3A_526, %abs3A_534 : vector<16xf32>
    %mul3A_536 = arith.mulf %add3A_535, %convert_element_type3A_518 : vector<16xf32>
    %add3A_537 = arith.addf %add3A_513, %mul3A_536 : vector<16xf32>
    %add3A_538 = arith.addf %add3A_514, %convert_element_type3A_518 : vector<16xf32>
    %get3A_539 = arith.constant 0 : index
    %get3A_540 = tpu.vector_load %arg10[%get3A_539] {strides = array<i32>} : memref<128xi32, #tpu.memory_space<vmem>>, vector<16xi32>,
    %get3A_541 = vector.shape_cast %get3A_540 : vector<16xi32> to vector<16xi32>
    %convert_element_type3A_542 = arith.sitofp %get3A_541 : vector<16xi32> to vector<16xf32>
    %get3A_543 = arith.constant 0 : index
    %get3A_544 = tpu.vector_load %arg18[%get3A_543] {strides = array<i32>} : memref<128xf32, #tpu.memory_space<vmem>>, vector<16xf32>,
    %get3A_545 = vector.shape_cast %get3A_544 : vector<16xf32> to vector<16xf32>
    %get3A_546 = arith.constant 256 : index
    %get3A_547 = tpu.vector_load %arg11[%get3A_546] {strides = array<i32>} : memref<512xf32, #tpu.memory_space<vmem>>, vector<16xf32>,
    %get3A_548 = vector.shape_cast %get3A_547 : vector<16xf32> to vector<16xf32>
    %sub3A_549 = arith.subf %get3A_545, %get3A_548 : vector<16xf32>
    %abs3A_550 = math.absf %sub3A_549 : vector<16xf32>
    %get3A_551 = arith.constant 0 : index
    %get3A_552 = tpu.vector_load %arg19[%get3A_551] {strides = array<i32>} : memref<128xf32, #tpu.memory_space<vmem>>, vector<16xf32>,
    %get3A_553 = vector.shape_cast %get3A_552 : vector<16xf32> to vector<16xf32>
    %get3A_554 = arith.constant 384 : index
    %get3A_555 = tpu.vector_load %arg11[%get3A_554] {strides = array<i32>} : memref<512xf32, #tpu.memory_space<vmem>>, vector<16xf32>,
    %get3A_556 = vector.shape_cast %get3A_555 : vector<16xf32> to vector<16xf32>
    %sub3A_557 = arith.subf %get3A_553, %get3A_556 : vector<16xf32>
    %abs3A_558 = math.absf %sub3A_557 : vector<16xf32>
    %add3A_559 = arith.addf %abs3A_550, %abs3A_558 : vector<16xf32>
    %mul3A_560 = arith.mulf %add3A_559, %convert_element_type3A_542 : vector<16xf32>
    %add3A_561 = arith.addf %add3A_537, %mul3A_560 : vector<16xf32>
    %add3A_562 = arith.addf %add3A_538, %convert_element_type3A_542 : vector<16xf32>
    %get3A_563 = arith.constant 16 : index
    %get3A_564 = tpu.vector_load %arg10[%get3A_563] {strides = array<i32>} : memref<128xi32, #tpu.memory_space<vmem>>, vector<16xi32>,
    %get3A_565 = vector.shape_cast %get3A_564 : vector<16xi32> to vector<16xi32>
    %convert_element_type3A_566 = arith.sitofp %get3A_565 : vector<16xi32> to vector<16xf32>
    %get3A_567 = arith.constant 16 : index
    %get3A_568 = tpu.vector_load %arg18[%get3A_567] {strides = array<i32>} : memref<128xf32, #tpu.memory_space<vmem>>, vector<16xf32>,
    %get3A_569 = vector.shape_cast %get3A_568 : vector<16xf32> to vector<16xf32>
    %get3A_570 = arith.constant 272 : index
    %get3A_571 = tpu.vector_load %arg11[%get3A_570] {strides = array<i32>} : memref<512xf32, #tpu.memory_space<vmem>>, vector<16xf32>,
    %get3A_572 = vector.shape_cast %get3A_571 : vector<16xf32> to vector<16xf32>
    %sub3A_573 = arith.subf %get3A_569, %get3A_572 : vector<16xf32>
    %abs3A_574 = math.absf %sub3A_573 : vector<16xf32>
    %get3A_575 = arith.constant 16 : index
    %get3A_576 = tpu.vector_load %arg19[%get3A_575] {strides = array<i32>} : memref<128xf32, #tpu.memory_space<vmem>>, vector<16xf32>,
    %get3A_577 = vector.shape_cast %get3A_576 : vector<16xf32> to vector<16xf32>
    %get3A_578 = arith.constant 400 : index
    %get3A_579 = tpu.vector_load %arg11[%get3A_578] {strides = array<i32>} : memref<512xf32, #tpu.memory_space<vmem>>, vector<16xf32>,
    %get3A_580 = vector.shape_cast %get3A_579 : vector<16xf32> to vector<16xf32>
    %sub3A_581 = arith.subf %get3A_577, %get3A_580 : vector<16xf32>
    %abs3A_582 = math.absf %sub3A_581 : vector<16xf32>
    %add3A_583 = arith.addf %abs3A_574, %abs3A_582 : vector<16xf32>
    %mul3A_584 = arith.mulf %add3A_583, %convert_element_type3A_566 : vector<16xf32>
    %add3A_585 = arith.addf %add3A_561, %mul3A_584 : vector<16xf32>
    %add3A_586 = arith.addf %add3A_562, %convert_element_type3A_566 : vector<16xf32>
    %get3A_587 = arith.constant 32 : index
    %get3A_588 = tpu.vector_load %arg10[%get3A_587] {strides = array<i32>} : memref<128xi32, #tpu.memory_space<vmem>>, vector<16xi32>,
    %get3A_589 = vector.shape_cast %get3A_588 : vector<16xi32> to vector<16xi32>
    %convert_element_type3A_590 = arith.sitofp %get3A_589 : vector<16xi32> to vector<16xf32>
    %get3A_591 = arith.constant 32 : index
    %get3A_592 = tpu.vector_load %arg18[%get3A_591] {strides = array<i32>} : memref<128xf32, #tpu.memory_space<vmem>>, vector<16xf32>,
    %get3A_593 = vector.shape_cast %get3A_592 : vector<16xf32> to vector<16xf32>
    %get3A_594 = arith.constant 288 : index
    %get3A_595 = tpu.vector_load %arg11[%get3A_594] {strides = array<i32>} : memref<512xf32, #tpu.memory_space<vmem>>, vector<16xf32>,
    %get3A_596 = vector.shape_cast %get3A_595 : vector<16xf32> to vector<16xf32>
    %sub3A_597 = arith.subf %get3A_593, %get3A_596 : vector<16xf32>
    %abs3A_598 = math.absf %sub3A_597 : vector<16xf32>
    %get3A_599 = arith.constant 32 : index
    %get3A_600 = tpu.vector_load %arg19[%get3A_599] {strides = array<i32>} : memref<128xf32, #tpu.memory_space<vmem>>, vector<16xf32>,
    %get3A_601 = vector.shape_cast %get3A_600 : vector<16xf32> to vector<16xf32>
    %get3A_602 = arith.constant 416 : index
    %get3A_603 = tpu.vector_load %arg11[%get3A_602] {strides = array<i32>} : memref<512xf32, #tpu.memory_space<vmem>>, vector<16xf32>,
    %get3A_604 = vector.shape_cast %get3A_603 : vector<16xf32> to vector<16xf32>
    %sub3A_605 = arith.subf %get3A_601, %get3A_604 : vector<16xf32>
    %abs3A_606 = math.absf %sub3A_605 : vector<16xf32>
    %add3A_607 = arith.addf %abs3A_598, %abs3A_606 : vector<16xf32>
    %mul3A_608 = arith.mulf %add3A_607, %convert_element_type3A_590 : vector<16xf32>
    %add3A_609 = arith.addf %add3A_585, %mul3A_608 : vector<16xf32>
    %add3A_610 = arith.addf %add3A_586, %convert_element_type3A_590 : vector<16xf32>
    %get3A_611 = arith.constant 48 : index
    %get3A_612 = tpu.vector_load %arg10[%get3A_611] {strides = array<i32>} : memref<128xi32, #tpu.memory_space<vmem>>, vector<16xi32>,
    %get3A_613 = vector.shape_cast %get3A_612 : vector<16xi32> to vector<16xi32>
    %convert_element_type3A_614 = arith.sitofp %get3A_613 : vector<16xi32> to vector<16xf32>
    %get3A_615 = arith.constant 48 : index
    %get3A_616 = tpu.vector_load %arg18[%get3A_615] {strides = array<i32>} : memref<128xf32, #tpu.memory_space<vmem>>, vector<16xf32>,
    %get3A_617 = vector.shape_cast %get3A_616 : vector<16xf32> to vector<16xf32>
    %get3A_618 = arith.constant 304 : index
    %get3A_619 = tpu.vector_load %arg11[%get3A_618] {strides = array<i32>} : memref<512xf32, #tpu.memory_space<vmem>>, vector<16xf32>,
    %get3A_620 = vector.shape_cast %get3A_619 : vector<16xf32> to vector<16xf32>
    %sub3A_621 = arith.subf %get3A_617, %get3A_620 : vector<16xf32>
    %abs3A_622 = math.absf %sub3A_621 : vector<16xf32>
    %get3A_623 = arith.constant 48 : index
    %get3A_624 = tpu.vector_load %arg19[%get3A_623] {strides = array<i32>} : memref<128xf32, #tpu.memory_space<vmem>>, vector<16xf32>,
    %get3A_625 = vector.shape_cast %get3A_624 : vector<16xf32> to vector<16xf32>
    %get3A_626 = arith.constant 432 : index
    %get3A_627 = tpu.vector_load %arg11[%get3A_626] {strides = array<i32>} : memref<512xf32, #tpu.memory_space<vmem>>, vector<16xf32>,
    %get3A_628 = vector.shape_cast %get3A_627 : vector<16xf32> to vector<16xf32>
    %sub3A_629 = arith.subf %get3A_625, %get3A_628 : vector<16xf32>
    %abs3A_630 = math.absf %sub3A_629 : vector<16xf32>
    %add3A_631 = arith.addf %abs3A_622, %abs3A_630 : vector<16xf32>
    %mul3A_632 = arith.mulf %add3A_631, %convert_element_type3A_614 : vector<16xf32>
    %add3A_633 = arith.addf %add3A_609, %mul3A_632 : vector<16xf32>
    %add3A_634 = arith.addf %add3A_610, %convert_element_type3A_614 : vector<16xf32>
    %get3A_635 = arith.constant 64 : index
    %get3A_636 = tpu.vector_load %arg10[%get3A_635] {strides = array<i32>} : memref<128xi32, #tpu.memory_space<vmem>>, vector<16xi32>,
    %get3A_637 = vector.shape_cast %get3A_636 : vector<16xi32> to vector<16xi32>
    %convert_element_type3A_638 = arith.sitofp %get3A_637 : vector<16xi32> to vector<16xf32>
    %get3A_639 = arith.constant 64 : index
    %get3A_640 = tpu.vector_load %arg18[%get3A_639] {strides = array<i32>} : memref<128xf32, #tpu.memory_space<vmem>>, vector<16xf32>,
    %get3A_641 = vector.shape_cast %get3A_640 : vector<16xf32> to vector<16xf32>
    %get3A_642 = arith.constant 320 : index
    %get3A_643 = tpu.vector_load %arg11[%get3A_642] {strides = array<i32>} : memref<512xf32, #tpu.memory_space<vmem>>, vector<16xf32>,
    %get3A_644 = vector.shape_cast %get3A_643 : vector<16xf32> to vector<16xf32>
    %sub3A_645 = arith.subf %get3A_641, %get3A_644 : vector<16xf32>
    %abs3A_646 = math.absf %sub3A_645 : vector<16xf32>
    %get3A_647 = arith.constant 64 : index
    %get3A_648 = tpu.vector_load %arg19[%get3A_647] {strides = array<i32>} : memref<128xf32, #tpu.memory_space<vmem>>, vector<16xf32>,
    %get3A_649 = vector.shape_cast %get3A_648 : vector<16xf32> to vector<16xf32>
    %get3A_650 = arith.constant 448 : index
    %get3A_651 = tpu.vector_load %arg11[%get3A_650] {strides = array<i32>} : memref<512xf32, #tpu.memory_space<vmem>>, vector<16xf32>,
    %get3A_652 = vector.shape_cast %get3A_651 : vector<16xf32> to vector<16xf32>
    %sub3A_653 = arith.subf %get3A_649, %get3A_652 : vector<16xf32>
    %abs3A_654 = math.absf %sub3A_653 : vector<16xf32>
    %add3A_655 = arith.addf %abs3A_646, %abs3A_654 : vector<16xf32>
    %mul3A_656 = arith.mulf %add3A_655, %convert_element_type3A_638 : vector<16xf32>
    %add3A_657 = arith.addf %add3A_633, %mul3A_656 : vector<16xf32>
    %add3A_658 = arith.addf %add3A_634, %convert_element_type3A_638 : vector<16xf32>
    %get3A_659 = arith.constant 80 : index
    %get3A_660 = tpu.vector_load %arg10[%get3A_659] {strides = array<i32>} : memref<128xi32, #tpu.memory_space<vmem>>, vector<16xi32>,
    %get3A_661 = vector.shape_cast %get3A_660 : vector<16xi32> to vector<16xi32>
    %convert_element_type3A_662 = arith.sitofp %get3A_661 : vector<16xi32> to vector<16xf32>
    %get3A_663 = arith.constant 80 : index
    %get3A_664 = tpu.vector_load %arg18[%get3A_663] {strides = array<i32>} : memref<128xf32, #tpu.memory_space<vmem>>, vector<16xf32>,
    %get3A_665 = vector.shape_cast %get3A_664 : vector<16xf32> to vector<16xf32>
    %get3A_666 = arith.constant 336 : index
    %get3A_667 = tpu.vector_load %arg11[%get3A_666] {strides = array<i32>} : memref<512xf32, #tpu.memory_space<vmem>>, vector<16xf32>,
    %get3A_668 = vector.shape_cast %get3A_667 : vector<16xf32> to vector<16xf32>
    %sub3A_669 = arith.subf %get3A_665, %get3A_668 : vector<16xf32>
    %abs3A_670 = math.absf %sub3A_669 : vector<16xf32>
    %get3A_671 = arith.constant 80 : index
    %get3A_672 = tpu.vector_load %arg19[%get3A_671] {strides = array<i32>} : memref<128xf32, #tpu.memory_space<vmem>>, vector<16xf32>,
    %get3A_673 = vector.shape_cast %get3A_672 : vector<16xf32> to vector<16xf32>
    %get3A_674 = arith.constant 464 : index
    %get3A_675 = tpu.vector_load %arg11[%get3A_674] {strides = array<i32>} : memref<512xf32, #tpu.memory_space<vmem>>, vector<16xf32>,
    %get3A_676 = vector.shape_cast %get3A_675 : vector<16xf32> to vector<16xf32>
    %sub3A_677 = arith.subf %get3A_673, %get3A_676 : vector<16xf32>
    %abs3A_678 = math.absf %sub3A_677 : vector<16xf32>
    %add3A_679 = arith.addf %abs3A_670, %abs3A_678 : vector<16xf32>
    %mul3A_680 = arith.mulf %add3A_679, %convert_element_type3A_662 : vector<16xf32>
    %add3A_681 = arith.addf %add3A_657, %mul3A_680 : vector<16xf32>
    %add3A_682 = arith.addf %add3A_658, %convert_element_type3A_662 : vector<16xf32>
    %get3A_683 = arith.constant 96 : index
    %get3A_684 = tpu.vector_load %arg10[%get3A_683] {strides = array<i32>} : memref<128xi32, #tpu.memory_space<vmem>>, vector<16xi32>,
    %get3A_685 = vector.shape_cast %get3A_684 : vector<16xi32> to vector<16xi32>
    %convert_element_type3A_686 = arith.sitofp %get3A_685 : vector<16xi32> to vector<16xf32>
    %get3A_687 = arith.constant 96 : index
    %get3A_688 = tpu.vector_load %arg18[%get3A_687] {strides = array<i32>} : memref<128xf32, #tpu.memory_space<vmem>>, vector<16xf32>,
    %get3A_689 = vector.shape_cast %get3A_688 : vector<16xf32> to vector<16xf32>
    %get3A_690 = arith.constant 352 : index
    %get3A_691 = tpu.vector_load %arg11[%get3A_690] {strides = array<i32>} : memref<512xf32, #tpu.memory_space<vmem>>, vector<16xf32>,
    %get3A_692 = vector.shape_cast %get3A_691 : vector<16xf32> to vector<16xf32>
    %sub3A_693 = arith.subf %get3A_689, %get3A_692 : vector<16xf32>
    %abs3A_694 = math.absf %sub3A_693 : vector<16xf32>
    %get3A_695 = arith.constant 96 : index
    %get3A_696 = tpu.vector_load %arg19[%get3A_695] {strides = array<i32>} : memref<128xf32, #tpu.memory_space<vmem>>, vector<16xf32>,
    %get3A_697 = vector.shape_cast %get3A_696 : vector<16xf32> to vector<16xf32>
    %get3A_698 = arith.constant 480 : index
    %get3A_699 = tpu.vector_load %arg11[%get3A_698] {strides = array<i32>} : memref<512xf32, #tpu.memory_space<vmem>>, vector<16xf32>,
    %get3A_700 = vector.shape_cast %get3A_699 : vector<16xf32> to vector<16xf32>
    %sub3A_701 = arith.subf %get3A_697, %get3A_700 : vector<16xf32>
    %abs3A_702 = math.absf %sub3A_701 : vector<16xf32>
    %add3A_703 = arith.addf %abs3A_694, %abs3A_702 : vector<16xf32>
    %mul3A_704 = arith.mulf %add3A_703, %convert_element_type3A_686 : vector<16xf32>
    %add3A_705 = arith.addf %add3A_681, %mul3A_704 : vector<16xf32>
    %add3A_706 = arith.addf %add3A_682, %convert_element_type3A_686 : vector<16xf32>
    %get3A_707 = arith.constant 112 : index
    %get3A_708 = tpu.vector_load %arg10[%get3A_707] {strides = array<i32>} : memref<128xi32, #tpu.memory_space<vmem>>, vector<16xi32>,
    %get3A_709 = vector.shape_cast %get3A_708 : vector<16xi32> to vector<16xi32>
    %convert_element_type3A_710 = arith.sitofp %get3A_709 : vector<16xi32> to vector<16xf32>
    %get3A_711 = arith.constant 112 : index
    %get3A_712 = tpu.vector_load %arg18[%get3A_711] {strides = array<i32>} : memref<128xf32, #tpu.memory_space<vmem>>, vector<16xf32>,
    %get3A_713 = vector.shape_cast %get3A_712 : vector<16xf32> to vector<16xf32>
    %get3A_714 = arith.constant 368 : index
    %get3A_715 = tpu.vector_load %arg11[%get3A_714] {strides = array<i32>} : memref<512xf32, #tpu.memory_space<vmem>>, vector<16xf32>,
    %get3A_716 = vector.shape_cast %get3A_715 : vector<16xf32> to vector<16xf32>
    %sub3A_717 = arith.subf %get3A_713, %get3A_716 : vector<16xf32>
    %abs3A_718 = math.absf %sub3A_717 : vector<16xf32>
    %get3A_719 = arith.constant 112 : index
    %get3A_720 = tpu.vector_load %arg19[%get3A_719] {strides = array<i32>} : memref<128xf32, #tpu.memory_space<vmem>>, vector<16xf32>,
    %get3A_721 = vector.shape_cast %get3A_720 : vector<16xf32> to vector<16xf32>
    %get3A_722 = arith.constant 496 : index
    %get3A_723 = tpu.vector_load %arg11[%get3A_722] {strides = array<i32>} : memref<512xf32, #tpu.memory_space<vmem>>, vector<16xf32>,
    %get3A_724 = vector.shape_cast %get3A_723 : vector<16xf32> to vector<16xf32>
    %sub3A_725 = arith.subf %get3A_721, %get3A_724 : vector<16xf32>
    %abs3A_726 = math.absf %sub3A_725 : vector<16xf32>
    %add3A_727 = arith.addf %abs3A_718, %abs3A_726 : vector<16xf32>
    %mul3A_728 = arith.mulf %add3A_727, %convert_element_type3A_710 : vector<16xf32>
    %add3A_729 = arith.addf %add3A_705, %mul3A_728 : vector<16xf32>
    %add3A_730 = arith.addf %add3A_706, %convert_element_type3A_710 : vector<16xf32>
    %swap3A_731 = arith.constant 0 : index
    %swap3A_732 = tpu.vector_load %arg20[%swap3A_731] {strides = array<i32>} : memref<32xf32, #tpu.memory_space<vmem>>, vector<16xf32>,
    %swap3A_733 = vector.shape_cast %swap3A_732 : vector<16xf32> to vector<16xf32>
    %swap3A_734 = vector.shape_cast %add3A_729 : vector<16xf32> to vector<16xf32>
    tpu.vector_store %arg20[%swap3A_731], %swap3A_734 {strides = array<i32>} : memref<32xf32, #tpu.memory_space<vmem>>, vector<16xf32>,
    %swap3A_735 = arith.constant 16 : index
    %swap3A_736 = tpu.vector_load %arg20[%swap3A_735] {strides = array<i32>} : memref<32xf32, #tpu.memory_space<vmem>>, vector<16xf32>,
    %swap3A_737 = vector.shape_cast %swap3A_736 : vector<16xf32> to vector<16xf32>
    %swap3A_738 = vector.shape_cast %add3A_730 : vector<16xf32> to vector<16xf32>
    tpu.vector_store %arg20[%swap3A_735], %swap3A_738 {strides = array<i32>} : memref<32xf32, #tpu.memory_space<vmem>>, vector<16xf32>,
    "tpu.region"() ({
      %run_scoped3A = tpu.sem_alloc : memref<!tpu.dma_semaphore, #tpu.memory_space<semaphore_mem>>
      %dma_start3A_739 = arith.constant 0 : i32
      %dma_start3A_740 = tpu.memref_slice %arg6[%add3A, %dma_start3A_739] : memref<32x32xf32, #tpu.memory_space<hbm>> -> memref<1x32xf32, #tpu.memory_space<hbm>>
      %dma_start3A_741 = tpu.memref_squeeze %dma_start3A_740 : memref<1x32xf32, #tpu.memory_space<hbm>> -> memref<32xf32, #tpu.memory_space<hbm>>
      %dma_start3A_742 = arith.constant 0 : i32
      %dma_start3A_743 = tpu.memref_slice %arg6[%add3A, %dma_start3A_742] : memref<32x32xf32, #tpu.memory_space<hbm>> -> memref<1x32xf32, #tpu.memory_space<hbm>>
      %dma_start3A_744 = tpu.memref_squeeze %dma_start3A_743 : memref<1x32xf32, #tpu.memory_space<hbm>> -> memref<32xf32, #tpu.memory_space<hbm>>
      tpu.enqueue_dma source(%arg20 : memref<32xf32, #tpu.memory_space<vmem>>) target(%dma_start3A_744 : memref<32xf32, #tpu.memory_space<hbm>>) target_semaphore(%run_scoped3A : memref<!tpu.dma_semaphore, #tpu.memory_space<semaphore_mem>>)
      %dma_wait3A_745 = arith.constant 0 : i32
      %dma_wait3A_746 = tpu.memref_slice %arg6[%add3A, %dma_wait3A_745] : memref<32x32xf32, #tpu.memory_space<hbm>> -> memref<1x32xf32, #tpu.memory_space<hbm>>
      %dma_wait3A_747 = tpu.memref_squeeze %dma_wait3A_746 : memref<1x32xf32, #tpu.memory_space<hbm>> -> memref<32xf32, #tpu.memory_space<hbm>>
      %dma_wait3A_748 = arith.constant 0 : i32
      %dma_wait3A_749 = tpu.memref_slice %arg6[%add3A, %dma_wait3A_748] : memref<32x32xf32, #tpu.memory_space<hbm>> -> memref<1x32xf32, #tpu.memory_space<hbm>>
      %dma_wait3A_750 = tpu.memref_squeeze %dma_wait3A_749 : memref<1x32xf32, #tpu.memory_space<hbm>> -> memref<32xf32, #tpu.memory_space<hbm>>
      tpu.wait_dma2 semaphore(%run_scoped3A : memref<!tpu.dma_semaphore, #tpu.memory_space<semaphore_mem>>) src(%arg20 : memref<32xf32, #tpu.memory_space<vmem>>) dst(%dma_wait3A_750 : memref<32xf32, #tpu.memory_space<hbm>>)
      tpu.yield
    }) : () -> ()
    return
  }
}

#map = affine_map<(d0, d1) -> (0, 0)>
#map1 = affine_map<(d0, d1) -> (0)>
module attributes {stable_mosaic.version = 14 : i64} {
  func.func @_stage2_body(%arg0: i32, %arg1: i32, %arg2: memref<32x32xf32, #tpu.memory_space<hbm>>, %arg3: memref<16xf32, #tpu.memory_space<hbm>>, %arg4: memref<32x32xf32, #tpu.memory_space<vmem>>, %arg5: memref<16xf32, #tpu.memory_space<vmem>>, %arg6: memref<!tpu.dma_semaphore, #tpu.memory_space<semaphore_mem>>) attributes {dimension_semantics = [#tpu.dimension_semantics<core_parallel>, #tpu.dimension_semantics<subcore_parallel>], iteration_bounds = array<i64: 1, 16>, scalar_prefetch = 0 : i64, scratch_operands = 3 : i64, tpu.core_type = #tpu.core_type<sc_vector_subcore>, window_params = [{transform_indices = #map}, {transform_indices = #map1}]} {
    %eq3A = arith.constant 0 : i32
    %eq3A_0 = arith.cmpi eq, %arg0, %eq3A : i32
    %eq3A_1 = arith.constant 0 : i32
    %eq3A_2 = arith.cmpi eq, %arg1, %eq3A_1 : i32
    %and3A = arith.andi %eq3A_0, %eq3A_2 : i1
    %convert_element_type3A = arith.extui %and3A : i1 to i32
    %cond3A = arith.constant 0 : i32
    %cond3A_3 = arith.cmpi ne, %convert_element_type3A, %cond3A : i32
    scf.if %cond3A_3 {
      tpu.enqueue_dma source(%arg2 : memref<32x32xf32, #tpu.memory_space<hbm>>) target(%arg4 : memref<32x32xf32, #tpu.memory_space<vmem>>) target_semaphore(%arg6 : memref<!tpu.dma_semaphore, #tpu.memory_space<semaphore_mem>>)
      tpu.wait_dma2 semaphore(%arg6 : memref<!tpu.dma_semaphore, #tpu.memory_space<semaphore_mem>>) src(%arg2 : memref<32x32xf32, #tpu.memory_space<hbm>>) dst(%arg4 : memref<32x32xf32, #tpu.memory_space<vmem>>)
      %broadcast_in_dim3A = arith.constant 0.000000e+00 : f32
      %broadcast_in_dim3A_4 = vector.broadcast %broadcast_in_dim3A : f32 to vector<16xf32>
      %broadcast_in_dim3A_5 = arith.constant 0.000000e+00 : f32
      %broadcast_in_dim3A_6 = vector.broadcast %broadcast_in_dim3A_5 : f32 to vector<16xf32>
      %get3A = arith.constant 0 : i32
      %get3A_7 = arith.index_cast %get3A : i32 to index
      %get3A_8 = arith.constant 0 : index
      %get3A_9 = tpu.vector_load %arg4[%get3A_7, %get3A_8] {strides = array<i32>} : memref<32x32xf32, #tpu.memory_space<vmem>>, vector<1x16xf32>,
      %get3A_10 = vector.shape_cast %get3A_9 : vector<1x16xf32> to vector<16xf32>
      %add3A = arith.addf %broadcast_in_dim3A_4, %get3A_10 : vector<16xf32>
      %get3A_11 = arith.constant 0 : i32
      %get3A_12 = arith.index_cast %get3A_11 : i32 to index
      %get3A_13 = arith.constant 16 : index
      %get3A_14 = tpu.vector_load %arg4[%get3A_12, %get3A_13] {strides = array<i32>} : memref<32x32xf32, #tpu.memory_space<vmem>>, vector<1x16xf32>,
      %get3A_15 = vector.shape_cast %get3A_14 : vector<1x16xf32> to vector<16xf32>
      %add3A_16 = arith.addf %broadcast_in_dim3A_6, %get3A_15 : vector<16xf32>
      %get3A_17 = arith.constant 1 : i32
      %get3A_18 = arith.index_cast %get3A_17 : i32 to index
      %get3A_19 = arith.constant 0 : index
      %get3A_20 = tpu.vector_load %arg4[%get3A_18, %get3A_19] {strides = array<i32>} : memref<32x32xf32, #tpu.memory_space<vmem>>, vector<1x16xf32>,
      %get3A_21 = vector.shape_cast %get3A_20 : vector<1x16xf32> to vector<16xf32>
      %add3A_22 = arith.addf %add3A, %get3A_21 : vector<16xf32>
      %get3A_23 = arith.constant 1 : i32
      %get3A_24 = arith.index_cast %get3A_23 : i32 to index
      %get3A_25 = arith.constant 16 : index
      %get3A_26 = tpu.vector_load %arg4[%get3A_24, %get3A_25] {strides = array<i32>} : memref<32x32xf32, #tpu.memory_space<vmem>>, vector<1x16xf32>,
      %get3A_27 = vector.shape_cast %get3A_26 : vector<1x16xf32> to vector<16xf32>
      %add3A_28 = arith.addf %add3A_16, %get3A_27 : vector<16xf32>
      %get3A_29 = arith.constant 2 : i32
      %get3A_30 = arith.index_cast %get3A_29 : i32 to index
      %get3A_31 = arith.constant 0 : index
      %get3A_32 = tpu.vector_load %arg4[%get3A_30, %get3A_31] {strides = array<i32>} : memref<32x32xf32, #tpu.memory_space<vmem>>, vector<1x16xf32>,
      %get3A_33 = vector.shape_cast %get3A_32 : vector<1x16xf32> to vector<16xf32>
      %add3A_34 = arith.addf %add3A_22, %get3A_33 : vector<16xf32>
      %get3A_35 = arith.constant 2 : i32
      %get3A_36 = arith.index_cast %get3A_35 : i32 to index
      %get3A_37 = arith.constant 16 : index
      %get3A_38 = tpu.vector_load %arg4[%get3A_36, %get3A_37] {strides = array<i32>} : memref<32x32xf32, #tpu.memory_space<vmem>>, vector<1x16xf32>,
      %get3A_39 = vector.shape_cast %get3A_38 : vector<1x16xf32> to vector<16xf32>
      %add3A_40 = arith.addf %add3A_28, %get3A_39 : vector<16xf32>
      %get3A_41 = arith.constant 3 : i32
      %get3A_42 = arith.index_cast %get3A_41 : i32 to index
      %get3A_43 = arith.constant 0 : index
      %get3A_44 = tpu.vector_load %arg4[%get3A_42, %get3A_43] {strides = array<i32>} : memref<32x32xf32, #tpu.memory_space<vmem>>, vector<1x16xf32>,
      %get3A_45 = vector.shape_cast %get3A_44 : vector<1x16xf32> to vector<16xf32>
      %add3A_46 = arith.addf %add3A_34, %get3A_45 : vector<16xf32>
      %get3A_47 = arith.constant 3 : i32
      %get3A_48 = arith.index_cast %get3A_47 : i32 to index
      %get3A_49 = arith.constant 16 : index
      %get3A_50 = tpu.vector_load %arg4[%get3A_48, %get3A_49] {strides = array<i32>} : memref<32x32xf32, #tpu.memory_space<vmem>>, vector<1x16xf32>,
      %get3A_51 = vector.shape_cast %get3A_50 : vector<1x16xf32> to vector<16xf32>
      %add3A_52 = arith.addf %add3A_40, %get3A_51 : vector<16xf32>
      %get3A_53 = arith.constant 4 : i32
      %get3A_54 = arith.index_cast %get3A_53 : i32 to index
      %get3A_55 = arith.constant 0 : index
      %get3A_56 = tpu.vector_load %arg4[%get3A_54, %get3A_55] {strides = array<i32>} : memref<32x32xf32, #tpu.memory_space<vmem>>, vector<1x16xf32>,
      %get3A_57 = vector.shape_cast %get3A_56 : vector<1x16xf32> to vector<16xf32>
      %add3A_58 = arith.addf %add3A_46, %get3A_57 : vector<16xf32>
      %get3A_59 = arith.constant 4 : i32
      %get3A_60 = arith.index_cast %get3A_59 : i32 to index
      %get3A_61 = arith.constant 16 : index
      %get3A_62 = tpu.vector_load %arg4[%get3A_60, %get3A_61] {strides = array<i32>} : memref<32x32xf32, #tpu.memory_space<vmem>>, vector<1x16xf32>,
      %get3A_63 = vector.shape_cast %get3A_62 : vector<1x16xf32> to vector<16xf32>
      %add3A_64 = arith.addf %add3A_52, %get3A_63 : vector<16xf32>
      %get3A_65 = arith.constant 5 : i32
      %get3A_66 = arith.index_cast %get3A_65 : i32 to index
      %get3A_67 = arith.constant 0 : index
      %get3A_68 = tpu.vector_load %arg4[%get3A_66, %get3A_67] {strides = array<i32>} : memref<32x32xf32, #tpu.memory_space<vmem>>, vector<1x16xf32>,
      %get3A_69 = vector.shape_cast %get3A_68 : vector<1x16xf32> to vector<16xf32>
      %add3A_70 = arith.addf %add3A_58, %get3A_69 : vector<16xf32>
      %get3A_71 = arith.constant 5 : i32
      %get3A_72 = arith.index_cast %get3A_71 : i32 to index
      %get3A_73 = arith.constant 16 : index
      %get3A_74 = tpu.vector_load %arg4[%get3A_72, %get3A_73] {strides = array<i32>} : memref<32x32xf32, #tpu.memory_space<vmem>>, vector<1x16xf32>,
      %get3A_75 = vector.shape_cast %get3A_74 : vector<1x16xf32> to vector<16xf32>
      %add3A_76 = arith.addf %add3A_64, %get3A_75 : vector<16xf32>
      %get3A_77 = arith.constant 6 : i32
      %get3A_78 = arith.index_cast %get3A_77 : i32 to index
      %get3A_79 = arith.constant 0 : index
      %get3A_80 = tpu.vector_load %arg4[%get3A_78, %get3A_79] {strides = array<i32>} : memref<32x32xf32, #tpu.memory_space<vmem>>, vector<1x16xf32>,
      %get3A_81 = vector.shape_cast %get3A_80 : vector<1x16xf32> to vector<16xf32>
      %add3A_82 = arith.addf %add3A_70, %get3A_81 : vector<16xf32>
      %get3A_83 = arith.constant 6 : i32
      %get3A_84 = arith.index_cast %get3A_83 : i32 to index
      %get3A_85 = arith.constant 16 : index
      %get3A_86 = tpu.vector_load %arg4[%get3A_84, %get3A_85] {strides = array<i32>} : memref<32x32xf32, #tpu.memory_space<vmem>>, vector<1x16xf32>,
      %get3A_87 = vector.shape_cast %get3A_86 : vector<1x16xf32> to vector<16xf32>
      %add3A_88 = arith.addf %add3A_76, %get3A_87 : vector<16xf32>
      %get3A_89 = arith.constant 7 : i32
      %get3A_90 = arith.index_cast %get3A_89 : i32 to index
      %get3A_91 = arith.constant 0 : index
      %get3A_92 = tpu.vector_load %arg4[%get3A_90, %get3A_91] {strides = array<i32>} : memref<32x32xf32, #tpu.memory_space<vmem>>, vector<1x16xf32>,
      %get3A_93 = vector.shape_cast %get3A_92 : vector<1x16xf32> to vector<16xf32>
      %add3A_94 = arith.addf %add3A_82, %get3A_93 : vector<16xf32>
      %get3A_95 = arith.constant 7 : i32
      %get3A_96 = arith.index_cast %get3A_95 : i32 to index
      %get3A_97 = arith.constant 16 : index
      %get3A_98 = tpu.vector_load %arg4[%get3A_96, %get3A_97] {strides = array<i32>} : memref<32x32xf32, #tpu.memory_space<vmem>>, vector<1x16xf32>,
      %get3A_99 = vector.shape_cast %get3A_98 : vector<1x16xf32> to vector<16xf32>
      %add3A_100 = arith.addf %add3A_88, %get3A_99 : vector<16xf32>
      %get3A_101 = arith.constant 8 : i32
      %get3A_102 = arith.index_cast %get3A_101 : i32 to index
      %get3A_103 = arith.constant 0 : index
      %get3A_104 = tpu.vector_load %arg4[%get3A_102, %get3A_103] {strides = array<i32>} : memref<32x32xf32, #tpu.memory_space<vmem>>, vector<1x16xf32>,
      %get3A_105 = vector.shape_cast %get3A_104 : vector<1x16xf32> to vector<16xf32>
      %add3A_106 = arith.addf %add3A_94, %get3A_105 : vector<16xf32>
      %get3A_107 = arith.constant 8 : i32
      %get3A_108 = arith.index_cast %get3A_107 : i32 to index
      %get3A_109 = arith.constant 16 : index
      %get3A_110 = tpu.vector_load %arg4[%get3A_108, %get3A_109] {strides = array<i32>} : memref<32x32xf32, #tpu.memory_space<vmem>>, vector<1x16xf32>,
      %get3A_111 = vector.shape_cast %get3A_110 : vector<1x16xf32> to vector<16xf32>
      %add3A_112 = arith.addf %add3A_100, %get3A_111 : vector<16xf32>
      %get3A_113 = arith.constant 9 : i32
      %get3A_114 = arith.index_cast %get3A_113 : i32 to index
      %get3A_115 = arith.constant 0 : index
      %get3A_116 = tpu.vector_load %arg4[%get3A_114, %get3A_115] {strides = array<i32>} : memref<32x32xf32, #tpu.memory_space<vmem>>, vector<1x16xf32>,
      %get3A_117 = vector.shape_cast %get3A_116 : vector<1x16xf32> to vector<16xf32>
      %add3A_118 = arith.addf %add3A_106, %get3A_117 : vector<16xf32>
      %get3A_119 = arith.constant 9 : i32
      %get3A_120 = arith.index_cast %get3A_119 : i32 to index
      %get3A_121 = arith.constant 16 : index
      %get3A_122 = tpu.vector_load %arg4[%get3A_120, %get3A_121] {strides = array<i32>} : memref<32x32xf32, #tpu.memory_space<vmem>>, vector<1x16xf32>,
      %get3A_123 = vector.shape_cast %get3A_122 : vector<1x16xf32> to vector<16xf32>
      %add3A_124 = arith.addf %add3A_112, %get3A_123 : vector<16xf32>
      %get3A_125 = arith.constant 10 : i32
      %get3A_126 = arith.index_cast %get3A_125 : i32 to index
      %get3A_127 = arith.constant 0 : index
      %get3A_128 = tpu.vector_load %arg4[%get3A_126, %get3A_127] {strides = array<i32>} : memref<32x32xf32, #tpu.memory_space<vmem>>, vector<1x16xf32>,
      %get3A_129 = vector.shape_cast %get3A_128 : vector<1x16xf32> to vector<16xf32>
      %add3A_130 = arith.addf %add3A_118, %get3A_129 : vector<16xf32>
      %get3A_131 = arith.constant 10 : i32
      %get3A_132 = arith.index_cast %get3A_131 : i32 to index
      %get3A_133 = arith.constant 16 : index
      %get3A_134 = tpu.vector_load %arg4[%get3A_132, %get3A_133] {strides = array<i32>} : memref<32x32xf32, #tpu.memory_space<vmem>>, vector<1x16xf32>,
      %get3A_135 = vector.shape_cast %get3A_134 : vector<1x16xf32> to vector<16xf32>
      %add3A_136 = arith.addf %add3A_124, %get3A_135 : vector<16xf32>
      %get3A_137 = arith.constant 11 : i32
      %get3A_138 = arith.index_cast %get3A_137 : i32 to index
      %get3A_139 = arith.constant 0 : index
      %get3A_140 = tpu.vector_load %arg4[%get3A_138, %get3A_139] {strides = array<i32>} : memref<32x32xf32, #tpu.memory_space<vmem>>, vector<1x16xf32>,
      %get3A_141 = vector.shape_cast %get3A_140 : vector<1x16xf32> to vector<16xf32>
      %add3A_142 = arith.addf %add3A_130, %get3A_141 : vector<16xf32>
      %get3A_143 = arith.constant 11 : i32
      %get3A_144 = arith.index_cast %get3A_143 : i32 to index
      %get3A_145 = arith.constant 16 : index
      %get3A_146 = tpu.vector_load %arg4[%get3A_144, %get3A_145] {strides = array<i32>} : memref<32x32xf32, #tpu.memory_space<vmem>>, vector<1x16xf32>,
      %get3A_147 = vector.shape_cast %get3A_146 : vector<1x16xf32> to vector<16xf32>
      %add3A_148 = arith.addf %add3A_136, %get3A_147 : vector<16xf32>
      %get3A_149 = arith.constant 12 : i32
      %get3A_150 = arith.index_cast %get3A_149 : i32 to index
      %get3A_151 = arith.constant 0 : index
      %get3A_152 = tpu.vector_load %arg4[%get3A_150, %get3A_151] {strides = array<i32>} : memref<32x32xf32, #tpu.memory_space<vmem>>, vector<1x16xf32>,
      %get3A_153 = vector.shape_cast %get3A_152 : vector<1x16xf32> to vector<16xf32>
      %add3A_154 = arith.addf %add3A_142, %get3A_153 : vector<16xf32>
      %get3A_155 = arith.constant 12 : i32
      %get3A_156 = arith.index_cast %get3A_155 : i32 to index
      %get3A_157 = arith.constant 16 : index
      %get3A_158 = tpu.vector_load %arg4[%get3A_156, %get3A_157] {strides = array<i32>} : memref<32x32xf32, #tpu.memory_space<vmem>>, vector<1x16xf32>,
      %get3A_159 = vector.shape_cast %get3A_158 : vector<1x16xf32> to vector<16xf32>
      %add3A_160 = arith.addf %add3A_148, %get3A_159 : vector<16xf32>
      %get3A_161 = arith.constant 13 : i32
      %get3A_162 = arith.index_cast %get3A_161 : i32 to index
      %get3A_163 = arith.constant 0 : index
      %get3A_164 = tpu.vector_load %arg4[%get3A_162, %get3A_163] {strides = array<i32>} : memref<32x32xf32, #tpu.memory_space<vmem>>, vector<1x16xf32>,
      %get3A_165 = vector.shape_cast %get3A_164 : vector<1x16xf32> to vector<16xf32>
      %add3A_166 = arith.addf %add3A_154, %get3A_165 : vector<16xf32>
      %get3A_167 = arith.constant 13 : i32
      %get3A_168 = arith.index_cast %get3A_167 : i32 to index
      %get3A_169 = arith.constant 16 : index
      %get3A_170 = tpu.vector_load %arg4[%get3A_168, %get3A_169] {strides = array<i32>} : memref<32x32xf32, #tpu.memory_space<vmem>>, vector<1x16xf32>,
      %get3A_171 = vector.shape_cast %get3A_170 : vector<1x16xf32> to vector<16xf32>
      %add3A_172 = arith.addf %add3A_160, %get3A_171 : vector<16xf32>
      %get3A_173 = arith.constant 14 : i32
      %get3A_174 = arith.index_cast %get3A_173 : i32 to index
      %get3A_175 = arith.constant 0 : index
      %get3A_176 = tpu.vector_load %arg4[%get3A_174, %get3A_175] {strides = array<i32>} : memref<32x32xf32, #tpu.memory_space<vmem>>, vector<1x16xf32>,
      %get3A_177 = vector.shape_cast %get3A_176 : vector<1x16xf32> to vector<16xf32>
      %add3A_178 = arith.addf %add3A_166, %get3A_177 : vector<16xf32>
      %get3A_179 = arith.constant 14 : i32
      %get3A_180 = arith.index_cast %get3A_179 : i32 to index
      %get3A_181 = arith.constant 16 : index
      %get3A_182 = tpu.vector_load %arg4[%get3A_180, %get3A_181] {strides = array<i32>} : memref<32x32xf32, #tpu.memory_space<vmem>>, vector<1x16xf32>,
      %get3A_183 = vector.shape_cast %get3A_182 : vector<1x16xf32> to vector<16xf32>
      %add3A_184 = arith.addf %add3A_172, %get3A_183 : vector<16xf32>
      %get3A_185 = arith.constant 15 : i32
      %get3A_186 = arith.index_cast %get3A_185 : i32 to index
      %get3A_187 = arith.constant 0 : index
      %get3A_188 = tpu.vector_load %arg4[%get3A_186, %get3A_187] {strides = array<i32>} : memref<32x32xf32, #tpu.memory_space<vmem>>, vector<1x16xf32>,
      %get3A_189 = vector.shape_cast %get3A_188 : vector<1x16xf32> to vector<16xf32>
      %add3A_190 = arith.addf %add3A_178, %get3A_189 : vector<16xf32>
      %get3A_191 = arith.constant 15 : i32
      %get3A_192 = arith.index_cast %get3A_191 : i32 to index
      %get3A_193 = arith.constant 16 : index
      %get3A_194 = tpu.vector_load %arg4[%get3A_192, %get3A_193] {strides = array<i32>} : memref<32x32xf32, #tpu.memory_space<vmem>>, vector<1x16xf32>,
      %get3A_195 = vector.shape_cast %get3A_194 : vector<1x16xf32> to vector<16xf32>
      %add3A_196 = arith.addf %add3A_184, %get3A_195 : vector<16xf32>
      %get3A_197 = arith.constant 16 : i32
      %get3A_198 = arith.index_cast %get3A_197 : i32 to index
      %get3A_199 = arith.constant 0 : index
      %get3A_200 = tpu.vector_load %arg4[%get3A_198, %get3A_199] {strides = array<i32>} : memref<32x32xf32, #tpu.memory_space<vmem>>, vector<1x16xf32>,
      %get3A_201 = vector.shape_cast %get3A_200 : vector<1x16xf32> to vector<16xf32>
      %add3A_202 = arith.addf %add3A_190, %get3A_201 : vector<16xf32>
      %get3A_203 = arith.constant 16 : i32
      %get3A_204 = arith.index_cast %get3A_203 : i32 to index
      %get3A_205 = arith.constant 16 : index
      %get3A_206 = tpu.vector_load %arg4[%get3A_204, %get3A_205] {strides = array<i32>} : memref<32x32xf32, #tpu.memory_space<vmem>>, vector<1x16xf32>,
      %get3A_207 = vector.shape_cast %get3A_206 : vector<1x16xf32> to vector<16xf32>
      %add3A_208 = arith.addf %add3A_196, %get3A_207 : vector<16xf32>
      %get3A_209 = arith.constant 17 : i32
      %get3A_210 = arith.index_cast %get3A_209 : i32 to index
      %get3A_211 = arith.constant 0 : index
      %get3A_212 = tpu.vector_load %arg4[%get3A_210, %get3A_211] {strides = array<i32>} : memref<32x32xf32, #tpu.memory_space<vmem>>, vector<1x16xf32>,
      %get3A_213 = vector.shape_cast %get3A_212 : vector<1x16xf32> to vector<16xf32>
      %add3A_214 = arith.addf %add3A_202, %get3A_213 : vector<16xf32>
      %get3A_215 = arith.constant 17 : i32
      %get3A_216 = arith.index_cast %get3A_215 : i32 to index
      %get3A_217 = arith.constant 16 : index
      %get3A_218 = tpu.vector_load %arg4[%get3A_216, %get3A_217] {strides = array<i32>} : memref<32x32xf32, #tpu.memory_space<vmem>>, vector<1x16xf32>,
      %get3A_219 = vector.shape_cast %get3A_218 : vector<1x16xf32> to vector<16xf32>
      %add3A_220 = arith.addf %add3A_208, %get3A_219 : vector<16xf32>
      %get3A_221 = arith.constant 18 : i32
      %get3A_222 = arith.index_cast %get3A_221 : i32 to index
      %get3A_223 = arith.constant 0 : index
      %get3A_224 = tpu.vector_load %arg4[%get3A_222, %get3A_223] {strides = array<i32>} : memref<32x32xf32, #tpu.memory_space<vmem>>, vector<1x16xf32>,
      %get3A_225 = vector.shape_cast %get3A_224 : vector<1x16xf32> to vector<16xf32>
      %add3A_226 = arith.addf %add3A_214, %get3A_225 : vector<16xf32>
      %get3A_227 = arith.constant 18 : i32
      %get3A_228 = arith.index_cast %get3A_227 : i32 to index
      %get3A_229 = arith.constant 16 : index
      %get3A_230 = tpu.vector_load %arg4[%get3A_228, %get3A_229] {strides = array<i32>} : memref<32x32xf32, #tpu.memory_space<vmem>>, vector<1x16xf32>,
      %get3A_231 = vector.shape_cast %get3A_230 : vector<1x16xf32> to vector<16xf32>
      %add3A_232 = arith.addf %add3A_220, %get3A_231 : vector<16xf32>
      %get3A_233 = arith.constant 19 : i32
      %get3A_234 = arith.index_cast %get3A_233 : i32 to index
      %get3A_235 = arith.constant 0 : index
      %get3A_236 = tpu.vector_load %arg4[%get3A_234, %get3A_235] {strides = array<i32>} : memref<32x32xf32, #tpu.memory_space<vmem>>, vector<1x16xf32>,
      %get3A_237 = vector.shape_cast %get3A_236 : vector<1x16xf32> to vector<16xf32>
      %add3A_238 = arith.addf %add3A_226, %get3A_237 : vector<16xf32>
      %get3A_239 = arith.constant 19 : i32
      %get3A_240 = arith.index_cast %get3A_239 : i32 to index
      %get3A_241 = arith.constant 16 : index
      %get3A_242 = tpu.vector_load %arg4[%get3A_240, %get3A_241] {strides = array<i32>} : memref<32x32xf32, #tpu.memory_space<vmem>>, vector<1x16xf32>,
      %get3A_243 = vector.shape_cast %get3A_242 : vector<1x16xf32> to vector<16xf32>
      %add3A_244 = arith.addf %add3A_232, %get3A_243 : vector<16xf32>
      %get3A_245 = arith.constant 20 : i32
      %get3A_246 = arith.index_cast %get3A_245 : i32 to index
      %get3A_247 = arith.constant 0 : index
      %get3A_248 = tpu.vector_load %arg4[%get3A_246, %get3A_247] {strides = array<i32>} : memref<32x32xf32, #tpu.memory_space<vmem>>, vector<1x16xf32>,
      %get3A_249 = vector.shape_cast %get3A_248 : vector<1x16xf32> to vector<16xf32>
      %add3A_250 = arith.addf %add3A_238, %get3A_249 : vector<16xf32>
      %get3A_251 = arith.constant 20 : i32
      %get3A_252 = arith.index_cast %get3A_251 : i32 to index
      %get3A_253 = arith.constant 16 : index
      %get3A_254 = tpu.vector_load %arg4[%get3A_252, %get3A_253] {strides = array<i32>} : memref<32x32xf32, #tpu.memory_space<vmem>>, vector<1x16xf32>,
      %get3A_255 = vector.shape_cast %get3A_254 : vector<1x16xf32> to vector<16xf32>
      %add3A_256 = arith.addf %add3A_244, %get3A_255 : vector<16xf32>
      %get3A_257 = arith.constant 21 : i32
      %get3A_258 = arith.index_cast %get3A_257 : i32 to index
      %get3A_259 = arith.constant 0 : index
      %get3A_260 = tpu.vector_load %arg4[%get3A_258, %get3A_259] {strides = array<i32>} : memref<32x32xf32, #tpu.memory_space<vmem>>, vector<1x16xf32>,
      %get3A_261 = vector.shape_cast %get3A_260 : vector<1x16xf32> to vector<16xf32>
      %add3A_262 = arith.addf %add3A_250, %get3A_261 : vector<16xf32>
      %get3A_263 = arith.constant 21 : i32
      %get3A_264 = arith.index_cast %get3A_263 : i32 to index
      %get3A_265 = arith.constant 16 : index
      %get3A_266 = tpu.vector_load %arg4[%get3A_264, %get3A_265] {strides = array<i32>} : memref<32x32xf32, #tpu.memory_space<vmem>>, vector<1x16xf32>,
      %get3A_267 = vector.shape_cast %get3A_266 : vector<1x16xf32> to vector<16xf32>
      %add3A_268 = arith.addf %add3A_256, %get3A_267 : vector<16xf32>
      %get3A_269 = arith.constant 22 : i32
      %get3A_270 = arith.index_cast %get3A_269 : i32 to index
      %get3A_271 = arith.constant 0 : index
      %get3A_272 = tpu.vector_load %arg4[%get3A_270, %get3A_271] {strides = array<i32>} : memref<32x32xf32, #tpu.memory_space<vmem>>, vector<1x16xf32>,
      %get3A_273 = vector.shape_cast %get3A_272 : vector<1x16xf32> to vector<16xf32>
      %add3A_274 = arith.addf %add3A_262, %get3A_273 : vector<16xf32>
      %get3A_275 = arith.constant 22 : i32
      %get3A_276 = arith.index_cast %get3A_275 : i32 to index
      %get3A_277 = arith.constant 16 : index
      %get3A_278 = tpu.vector_load %arg4[%get3A_276, %get3A_277] {strides = array<i32>} : memref<32x32xf32, #tpu.memory_space<vmem>>, vector<1x16xf32>,
      %get3A_279 = vector.shape_cast %get3A_278 : vector<1x16xf32> to vector<16xf32>
      %add3A_280 = arith.addf %add3A_268, %get3A_279 : vector<16xf32>
      %get3A_281 = arith.constant 23 : i32
      %get3A_282 = arith.index_cast %get3A_281 : i32 to index
      %get3A_283 = arith.constant 0 : index
      %get3A_284 = tpu.vector_load %arg4[%get3A_282, %get3A_283] {strides = array<i32>} : memref<32x32xf32, #tpu.memory_space<vmem>>, vector<1x16xf32>,
      %get3A_285 = vector.shape_cast %get3A_284 : vector<1x16xf32> to vector<16xf32>
      %add3A_286 = arith.addf %add3A_274, %get3A_285 : vector<16xf32>
      %get3A_287 = arith.constant 23 : i32
      %get3A_288 = arith.index_cast %get3A_287 : i32 to index
      %get3A_289 = arith.constant 16 : index
      %get3A_290 = tpu.vector_load %arg4[%get3A_288, %get3A_289] {strides = array<i32>} : memref<32x32xf32, #tpu.memory_space<vmem>>, vector<1x16xf32>,
      %get3A_291 = vector.shape_cast %get3A_290 : vector<1x16xf32> to vector<16xf32>
      %add3A_292 = arith.addf %add3A_280, %get3A_291 : vector<16xf32>
      %get3A_293 = arith.constant 24 : i32
      %get3A_294 = arith.index_cast %get3A_293 : i32 to index
      %get3A_295 = arith.constant 0 : index
      %get3A_296 = tpu.vector_load %arg4[%get3A_294, %get3A_295] {strides = array<i32>} : memref<32x32xf32, #tpu.memory_space<vmem>>, vector<1x16xf32>,
      %get3A_297 = vector.shape_cast %get3A_296 : vector<1x16xf32> to vector<16xf32>
      %add3A_298 = arith.addf %add3A_286, %get3A_297 : vector<16xf32>
      %get3A_299 = arith.constant 24 : i32
      %get3A_300 = arith.index_cast %get3A_299 : i32 to index
      %get3A_301 = arith.constant 16 : index
      %get3A_302 = tpu.vector_load %arg4[%get3A_300, %get3A_301] {strides = array<i32>} : memref<32x32xf32, #tpu.memory_space<vmem>>, vector<1x16xf32>,
      %get3A_303 = vector.shape_cast %get3A_302 : vector<1x16xf32> to vector<16xf32>
      %add3A_304 = arith.addf %add3A_292, %get3A_303 : vector<16xf32>
      %get3A_305 = arith.constant 25 : i32
      %get3A_306 = arith.index_cast %get3A_305 : i32 to index
      %get3A_307 = arith.constant 0 : index
      %get3A_308 = tpu.vector_load %arg4[%get3A_306, %get3A_307] {strides = array<i32>} : memref<32x32xf32, #tpu.memory_space<vmem>>, vector<1x16xf32>,
      %get3A_309 = vector.shape_cast %get3A_308 : vector<1x16xf32> to vector<16xf32>
      %add3A_310 = arith.addf %add3A_298, %get3A_309 : vector<16xf32>
      %get3A_311 = arith.constant 25 : i32
      %get3A_312 = arith.index_cast %get3A_311 : i32 to index
      %get3A_313 = arith.constant 16 : index
      %get3A_314 = tpu.vector_load %arg4[%get3A_312, %get3A_313] {strides = array<i32>} : memref<32x32xf32, #tpu.memory_space<vmem>>, vector<1x16xf32>,
      %get3A_315 = vector.shape_cast %get3A_314 : vector<1x16xf32> to vector<16xf32>
      %add3A_316 = arith.addf %add3A_304, %get3A_315 : vector<16xf32>
      %get3A_317 = arith.constant 26 : i32
      %get3A_318 = arith.index_cast %get3A_317 : i32 to index
      %get3A_319 = arith.constant 0 : index
      %get3A_320 = tpu.vector_load %arg4[%get3A_318, %get3A_319] {strides = array<i32>} : memref<32x32xf32, #tpu.memory_space<vmem>>, vector<1x16xf32>,
      %get3A_321 = vector.shape_cast %get3A_320 : vector<1x16xf32> to vector<16xf32>
      %add3A_322 = arith.addf %add3A_310, %get3A_321 : vector<16xf32>
      %get3A_323 = arith.constant 26 : i32
      %get3A_324 = arith.index_cast %get3A_323 : i32 to index
      %get3A_325 = arith.constant 16 : index
      %get3A_326 = tpu.vector_load %arg4[%get3A_324, %get3A_325] {strides = array<i32>} : memref<32x32xf32, #tpu.memory_space<vmem>>, vector<1x16xf32>,
      %get3A_327 = vector.shape_cast %get3A_326 : vector<1x16xf32> to vector<16xf32>
      %add3A_328 = arith.addf %add3A_316, %get3A_327 : vector<16xf32>
      %get3A_329 = arith.constant 27 : i32
      %get3A_330 = arith.index_cast %get3A_329 : i32 to index
      %get3A_331 = arith.constant 0 : index
      %get3A_332 = tpu.vector_load %arg4[%get3A_330, %get3A_331] {strides = array<i32>} : memref<32x32xf32, #tpu.memory_space<vmem>>, vector<1x16xf32>,
      %get3A_333 = vector.shape_cast %get3A_332 : vector<1x16xf32> to vector<16xf32>
      %add3A_334 = arith.addf %add3A_322, %get3A_333 : vector<16xf32>
      %get3A_335 = arith.constant 27 : i32
      %get3A_336 = arith.index_cast %get3A_335 : i32 to index
      %get3A_337 = arith.constant 16 : index
      %get3A_338 = tpu.vector_load %arg4[%get3A_336, %get3A_337] {strides = array<i32>} : memref<32x32xf32, #tpu.memory_space<vmem>>, vector<1x16xf32>,
      %get3A_339 = vector.shape_cast %get3A_338 : vector<1x16xf32> to vector<16xf32>
      %add3A_340 = arith.addf %add3A_328, %get3A_339 : vector<16xf32>
      %get3A_341 = arith.constant 28 : i32
      %get3A_342 = arith.index_cast %get3A_341 : i32 to index
      %get3A_343 = arith.constant 0 : index
      %get3A_344 = tpu.vector_load %arg4[%get3A_342, %get3A_343] {strides = array<i32>} : memref<32x32xf32, #tpu.memory_space<vmem>>, vector<1x16xf32>,
      %get3A_345 = vector.shape_cast %get3A_344 : vector<1x16xf32> to vector<16xf32>
      %add3A_346 = arith.addf %add3A_334, %get3A_345 : vector<16xf32>
      %get3A_347 = arith.constant 28 : i32
      %get3A_348 = arith.index_cast %get3A_347 : i32 to index
      %get3A_349 = arith.constant 16 : index
      %get3A_350 = tpu.vector_load %arg4[%get3A_348, %get3A_349] {strides = array<i32>} : memref<32x32xf32, #tpu.memory_space<vmem>>, vector<1x16xf32>,
      %get3A_351 = vector.shape_cast %get3A_350 : vector<1x16xf32> to vector<16xf32>
      %add3A_352 = arith.addf %add3A_340, %get3A_351 : vector<16xf32>
      %get3A_353 = arith.constant 29 : i32
      %get3A_354 = arith.index_cast %get3A_353 : i32 to index
      %get3A_355 = arith.constant 0 : index
      %get3A_356 = tpu.vector_load %arg4[%get3A_354, %get3A_355] {strides = array<i32>} : memref<32x32xf32, #tpu.memory_space<vmem>>, vector<1x16xf32>,
      %get3A_357 = vector.shape_cast %get3A_356 : vector<1x16xf32> to vector<16xf32>
      %add3A_358 = arith.addf %add3A_346, %get3A_357 : vector<16xf32>
      %get3A_359 = arith.constant 29 : i32
      %get3A_360 = arith.index_cast %get3A_359 : i32 to index
      %get3A_361 = arith.constant 16 : index
      %get3A_362 = tpu.vector_load %arg4[%get3A_360, %get3A_361] {strides = array<i32>} : memref<32x32xf32, #tpu.memory_space<vmem>>, vector<1x16xf32>,
      %get3A_363 = vector.shape_cast %get3A_362 : vector<1x16xf32> to vector<16xf32>
      %add3A_364 = arith.addf %add3A_352, %get3A_363 : vector<16xf32>
      %get3A_365 = arith.constant 30 : i32
      %get3A_366 = arith.index_cast %get3A_365 : i32 to index
      %get3A_367 = arith.constant 0 : index
      %get3A_368 = tpu.vector_load %arg4[%get3A_366, %get3A_367] {strides = array<i32>} : memref<32x32xf32, #tpu.memory_space<vmem>>, vector<1x16xf32>,
      %get3A_369 = vector.shape_cast %get3A_368 : vector<1x16xf32> to vector<16xf32>
      %add3A_370 = arith.addf %add3A_358, %get3A_369 : vector<16xf32>
      %get3A_371 = arith.constant 30 : i32
      %get3A_372 = arith.index_cast %get3A_371 : i32 to index
      %get3A_373 = arith.constant 16 : index
      %get3A_374 = tpu.vector_load %arg4[%get3A_372, %get3A_373] {strides = array<i32>} : memref<32x32xf32, #tpu.memory_space<vmem>>, vector<1x16xf32>,
      %get3A_375 = vector.shape_cast %get3A_374 : vector<1x16xf32> to vector<16xf32>
      %add3A_376 = arith.addf %add3A_364, %get3A_375 : vector<16xf32>
      %get3A_377 = arith.constant 31 : i32
      %get3A_378 = arith.index_cast %get3A_377 : i32 to index
      %get3A_379 = arith.constant 0 : index
      %get3A_380 = tpu.vector_load %arg4[%get3A_378, %get3A_379] {strides = array<i32>} : memref<32x32xf32, #tpu.memory_space<vmem>>, vector<1x16xf32>,
      %get3A_381 = vector.shape_cast %get3A_380 : vector<1x16xf32> to vector<16xf32>
      %add3A_382 = arith.addf %add3A_370, %get3A_381 : vector<16xf32>
      %get3A_383 = arith.constant 31 : i32
      %get3A_384 = arith.index_cast %get3A_383 : i32 to index
      %get3A_385 = arith.constant 16 : index
      %get3A_386 = tpu.vector_load %arg4[%get3A_384, %get3A_385] {strides = array<i32>} : memref<32x32xf32, #tpu.memory_space<vmem>>, vector<1x16xf32>,
      %get3A_387 = vector.shape_cast %get3A_386 : vector<1x16xf32> to vector<16xf32>
      %add3A_388 = arith.addf %add3A_376, %get3A_387 : vector<16xf32>
      %slice3A = vector.extract_strided_slice %add3A_382 {offsets = [0], sizes = [1], strides = [1]} : vector<16xf32> to vector<1xf32>
      %squeeze3A = vector.extract %slice3A[0] : f32 from vector<1xf32>
      %add3A_389 = arith.constant 0.000000e+00 : f32
      %add3A_390 = arith.addf %add3A_389, %squeeze3A : f32
      %slice3A_391 = vector.extract_strided_slice %add3A_388 {offsets = [0], sizes = [1], strides = [1]} : vector<16xf32> to vector<1xf32>
      %squeeze3A_392 = vector.extract %slice3A_391[0] : f32 from vector<1xf32>
      %add3A_393 = arith.constant 0.000000e+00 : f32
      %add3A_394 = arith.addf %add3A_393, %squeeze3A_392 : f32
      %slice3A_395 = vector.extract_strided_slice %add3A_382 {offsets = [1], sizes = [1], strides = [1]} : vector<16xf32> to vector<1xf32>
      %squeeze3A_396 = vector.extract %slice3A_395[0] : f32 from vector<1xf32>
      %add3A_397 = arith.addf %add3A_390, %squeeze3A_396 : f32
      %slice3A_398 = vector.extract_strided_slice %add3A_388 {offsets = [1], sizes = [1], strides = [1]} : vector<16xf32> to vector<1xf32>
      %squeeze3A_399 = vector.extract %slice3A_398[0] : f32 from vector<1xf32>
      %add3A_400 = arith.addf %add3A_394, %squeeze3A_399 : f32
      %slice3A_401 = vector.extract_strided_slice %add3A_382 {offsets = [2], sizes = [1], strides = [1]} : vector<16xf32> to vector<1xf32>
      %squeeze3A_402 = vector.extract %slice3A_401[0] : f32 from vector<1xf32>
      %add3A_403 = arith.addf %add3A_397, %squeeze3A_402 : f32
      %slice3A_404 = vector.extract_strided_slice %add3A_388 {offsets = [2], sizes = [1], strides = [1]} : vector<16xf32> to vector<1xf32>
      %squeeze3A_405 = vector.extract %slice3A_404[0] : f32 from vector<1xf32>
      %add3A_406 = arith.addf %add3A_400, %squeeze3A_405 : f32
      %slice3A_407 = vector.extract_strided_slice %add3A_382 {offsets = [3], sizes = [1], strides = [1]} : vector<16xf32> to vector<1xf32>
      %squeeze3A_408 = vector.extract %slice3A_407[0] : f32 from vector<1xf32>
      %add3A_409 = arith.addf %add3A_403, %squeeze3A_408 : f32
      %slice3A_410 = vector.extract_strided_slice %add3A_388 {offsets = [3], sizes = [1], strides = [1]} : vector<16xf32> to vector<1xf32>
      %squeeze3A_411 = vector.extract %slice3A_410[0] : f32 from vector<1xf32>
      %add3A_412 = arith.addf %add3A_406, %squeeze3A_411 : f32
      %slice3A_413 = vector.extract_strided_slice %add3A_382 {offsets = [4], sizes = [1], strides = [1]} : vector<16xf32> to vector<1xf32>
      %squeeze3A_414 = vector.extract %slice3A_413[0] : f32 from vector<1xf32>
      %add3A_415 = arith.addf %add3A_409, %squeeze3A_414 : f32
      %slice3A_416 = vector.extract_strided_slice %add3A_388 {offsets = [4], sizes = [1], strides = [1]} : vector<16xf32> to vector<1xf32>
      %squeeze3A_417 = vector.extract %slice3A_416[0] : f32 from vector<1xf32>
      %add3A_418 = arith.addf %add3A_412, %squeeze3A_417 : f32
      %slice3A_419 = vector.extract_strided_slice %add3A_382 {offsets = [5], sizes = [1], strides = [1]} : vector<16xf32> to vector<1xf32>
      %squeeze3A_420 = vector.extract %slice3A_419[0] : f32 from vector<1xf32>
      %add3A_421 = arith.addf %add3A_415, %squeeze3A_420 : f32
      %slice3A_422 = vector.extract_strided_slice %add3A_388 {offsets = [5], sizes = [1], strides = [1]} : vector<16xf32> to vector<1xf32>
      %squeeze3A_423 = vector.extract %slice3A_422[0] : f32 from vector<1xf32>
      %add3A_424 = arith.addf %add3A_418, %squeeze3A_423 : f32
      %slice3A_425 = vector.extract_strided_slice %add3A_382 {offsets = [6], sizes = [1], strides = [1]} : vector<16xf32> to vector<1xf32>
      %squeeze3A_426 = vector.extract %slice3A_425[0] : f32 from vector<1xf32>
      %add3A_427 = arith.addf %add3A_421, %squeeze3A_426 : f32
      %slice3A_428 = vector.extract_strided_slice %add3A_388 {offsets = [6], sizes = [1], strides = [1]} : vector<16xf32> to vector<1xf32>
      %squeeze3A_429 = vector.extract %slice3A_428[0] : f32 from vector<1xf32>
      %add3A_430 = arith.addf %add3A_424, %squeeze3A_429 : f32
      %slice3A_431 = vector.extract_strided_slice %add3A_382 {offsets = [7], sizes = [1], strides = [1]} : vector<16xf32> to vector<1xf32>
      %squeeze3A_432 = vector.extract %slice3A_431[0] : f32 from vector<1xf32>
      %add3A_433 = arith.addf %add3A_427, %squeeze3A_432 : f32
      %slice3A_434 = vector.extract_strided_slice %add3A_388 {offsets = [7], sizes = [1], strides = [1]} : vector<16xf32> to vector<1xf32>
      %squeeze3A_435 = vector.extract %slice3A_434[0] : f32 from vector<1xf32>
      %add3A_436 = arith.addf %add3A_430, %squeeze3A_435 : f32
      %slice3A_437 = vector.extract_strided_slice %add3A_382 {offsets = [8], sizes = [1], strides = [1]} : vector<16xf32> to vector<1xf32>
      %squeeze3A_438 = vector.extract %slice3A_437[0] : f32 from vector<1xf32>
      %add3A_439 = arith.addf %add3A_433, %squeeze3A_438 : f32
      %slice3A_440 = vector.extract_strided_slice %add3A_388 {offsets = [8], sizes = [1], strides = [1]} : vector<16xf32> to vector<1xf32>
      %squeeze3A_441 = vector.extract %slice3A_440[0] : f32 from vector<1xf32>
      %add3A_442 = arith.addf %add3A_436, %squeeze3A_441 : f32
      %slice3A_443 = vector.extract_strided_slice %add3A_382 {offsets = [9], sizes = [1], strides = [1]} : vector<16xf32> to vector<1xf32>
      %squeeze3A_444 = vector.extract %slice3A_443[0] : f32 from vector<1xf32>
      %add3A_445 = arith.addf %add3A_439, %squeeze3A_444 : f32
      %slice3A_446 = vector.extract_strided_slice %add3A_388 {offsets = [9], sizes = [1], strides = [1]} : vector<16xf32> to vector<1xf32>
      %squeeze3A_447 = vector.extract %slice3A_446[0] : f32 from vector<1xf32>
      %add3A_448 = arith.addf %add3A_442, %squeeze3A_447 : f32
      %slice3A_449 = vector.extract_strided_slice %add3A_382 {offsets = [10], sizes = [1], strides = [1]} : vector<16xf32> to vector<1xf32>
      %squeeze3A_450 = vector.extract %slice3A_449[0] : f32 from vector<1xf32>
      %add3A_451 = arith.addf %add3A_445, %squeeze3A_450 : f32
      %slice3A_452 = vector.extract_strided_slice %add3A_388 {offsets = [10], sizes = [1], strides = [1]} : vector<16xf32> to vector<1xf32>
      %squeeze3A_453 = vector.extract %slice3A_452[0] : f32 from vector<1xf32>
      %add3A_454 = arith.addf %add3A_448, %squeeze3A_453 : f32
      %slice3A_455 = vector.extract_strided_slice %add3A_382 {offsets = [11], sizes = [1], strides = [1]} : vector<16xf32> to vector<1xf32>
      %squeeze3A_456 = vector.extract %slice3A_455[0] : f32 from vector<1xf32>
      %add3A_457 = arith.addf %add3A_451, %squeeze3A_456 : f32
      %slice3A_458 = vector.extract_strided_slice %add3A_388 {offsets = [11], sizes = [1], strides = [1]} : vector<16xf32> to vector<1xf32>
      %squeeze3A_459 = vector.extract %slice3A_458[0] : f32 from vector<1xf32>
      %add3A_460 = arith.addf %add3A_454, %squeeze3A_459 : f32
      %slice3A_461 = vector.extract_strided_slice %add3A_382 {offsets = [12], sizes = [1], strides = [1]} : vector<16xf32> to vector<1xf32>
      %squeeze3A_462 = vector.extract %slice3A_461[0] : f32 from vector<1xf32>
      %add3A_463 = arith.addf %add3A_457, %squeeze3A_462 : f32
      %slice3A_464 = vector.extract_strided_slice %add3A_388 {offsets = [12], sizes = [1], strides = [1]} : vector<16xf32> to vector<1xf32>
      %squeeze3A_465 = vector.extract %slice3A_464[0] : f32 from vector<1xf32>
      %add3A_466 = arith.addf %add3A_460, %squeeze3A_465 : f32
      %slice3A_467 = vector.extract_strided_slice %add3A_382 {offsets = [13], sizes = [1], strides = [1]} : vector<16xf32> to vector<1xf32>
      %squeeze3A_468 = vector.extract %slice3A_467[0] : f32 from vector<1xf32>
      %add3A_469 = arith.addf %add3A_463, %squeeze3A_468 : f32
      %slice3A_470 = vector.extract_strided_slice %add3A_388 {offsets = [13], sizes = [1], strides = [1]} : vector<16xf32> to vector<1xf32>
      %squeeze3A_471 = vector.extract %slice3A_470[0] : f32 from vector<1xf32>
      %add3A_472 = arith.addf %add3A_466, %squeeze3A_471 : f32
      %slice3A_473 = vector.extract_strided_slice %add3A_382 {offsets = [14], sizes = [1], strides = [1]} : vector<16xf32> to vector<1xf32>
      %squeeze3A_474 = vector.extract %slice3A_473[0] : f32 from vector<1xf32>
      %add3A_475 = arith.addf %add3A_469, %squeeze3A_474 : f32
      %slice3A_476 = vector.extract_strided_slice %add3A_388 {offsets = [14], sizes = [1], strides = [1]} : vector<16xf32> to vector<1xf32>
      %squeeze3A_477 = vector.extract %slice3A_476[0] : f32 from vector<1xf32>
      %add3A_478 = arith.addf %add3A_472, %squeeze3A_477 : f32
      %slice3A_479 = vector.extract_strided_slice %add3A_382 {offsets = [15], sizes = [1], strides = [1]} : vector<16xf32> to vector<1xf32>
      %squeeze3A_480 = vector.extract %slice3A_479[0] : f32 from vector<1xf32>
      %add3A_481 = arith.addf %add3A_475, %squeeze3A_480 : f32
      %slice3A_482 = vector.extract_strided_slice %add3A_388 {offsets = [15], sizes = [1], strides = [1]} : vector<16xf32> to vector<1xf32>
      %squeeze3A_483 = vector.extract %slice3A_482[0] : f32 from vector<1xf32>
      %add3A_484 = arith.addf %add3A_478, %squeeze3A_483 : f32
      %mul3A = arith.constant 2.000000e+00 : f32
      %mul3A_485 = arith.mulf %add3A_484, %mul3A : f32
      %add3A_486 = arith.constant 9.99999974E-5 : f32
      %add3A_487 = arith.addf %mul3A_485, %add3A_486 : f32
      %broadcast_in_dim3A_488 = vector.broadcast %add3A_481 : f32 to vector<16xf32>
      %broadcast_in_dim3A_489 = vector.broadcast %add3A_487 : f32 to vector<16xf32>
      %div3A = arith.divf %broadcast_in_dim3A_488, %broadcast_in_dim3A_489 : vector<16xf32>
      %swap3A = arith.constant 0 : index
      %swap3A_490 = tpu.vector_load %arg5[%swap3A] {strides = array<i32>} : memref<16xf32, #tpu.memory_space<vmem>>, vector<16xf32>,
      %swap3A_491 = vector.shape_cast %swap3A_490 : vector<16xf32> to vector<16xf32>
      %swap3A_492 = vector.shape_cast %div3A : vector<16xf32> to vector<16xf32>
      tpu.vector_store %arg5[%swap3A], %swap3A_492 {strides = array<i32>} : memref<16xf32, #tpu.memory_space<vmem>>, vector<16xf32>,
      "tpu.region"() ({
        %run_scoped3A = tpu.sem_alloc : memref<!tpu.dma_semaphore, #tpu.memory_space<semaphore_mem>>
        tpu.enqueue_dma source(%arg5 : memref<16xf32, #tpu.memory_space<vmem>>) target(%arg3 : memref<16xf32, #tpu.memory_space<hbm>>) target_semaphore(%run_scoped3A : memref<!tpu.dma_semaphore, #tpu.memory_space<semaphore_mem>>)
        tpu.wait_dma2 semaphore(%run_scoped3A : memref<!tpu.dma_semaphore, #tpu.memory_space<semaphore_mem>>) src(%arg5 : memref<16xf32, #tpu.memory_space<vmem>>) dst(%arg3 : memref<16xf32, #tpu.memory_space<hbm>>)
        tpu.yield
      }) : () -> ()
    } else {
    }
    return
  }
}

</mosaic_0001>

<sc_bundles>
// kernel: kernel.4.cloned.1.call-start
scs
__scs_entry_jumppad:
0x0: {  	(pc) =	sbr.rel $0x88, $3  }
0x1: {  	(tag) =	ssettag $0x0;
	lr =	simm.s32 $0x1  }
0x2: {  	[smem:$0x3F9D] =	sst lr;
	_ =	strace $0xD0000000  }
0x3: {  	_ = 	snop  }
0x4: {  	_ = 	snop  }
0x5: {  	_ = 	snop  }
0x6: {  	_ = 	snop  }
0x7: {  	_ = 	snop  }
__scs_overlays_trampoline_lowered:
0x8: {  	[smem:$0x3FAC] =	sst s0  }
0x9: {  	[smem:$0x3FAD] =	sst s1  }
0xa: {  	[smem:$0x3FAE] =	sst s2  }
0xb: {  	[smem:$0x3FAF] =	sst s3  }
0xc: {  	[smem:$0x3FB0] =	sst s4  }
0xd: {  	[smem:$0x3FB1] =	sst s5  }
0xe: {  	[smem:$0x3FB2] =	sst s6  }
0xf: {  	[smem:$0x3FB3] =	sst s7  }
0x10: {  	[smem:$0x3FB4] =	sst s8  }
0x11: {  	[smem:$0x3FB5] =	sst s9;
	s0 =	simm.s32 @!p0 $0x0  }
0x12: {  	s1 =	sld [smem:$0x3F9B];
	s0 =	simm.s32 @p0 $0x1  }
0x13: {  	[smem:$0x3FB6] =	sst s0;
	s0 =	simm.s32 @!p1 $0x0  }
0x14: {  	s2 =	sld [smem:$0x3F9A];
	s0 =	simm.s32 @p1 $0x1  }
0x15: {  	[smem:$0x3FB7] =	sst s0;
	s0 =	simm.s32 @!p2 $0x0  }
0x16: {  	s3 =	sld [smem:$0x3FDB];
	s0 =	simm.s32 @p2 $0x1  }
0x17: {  	s4 =	simm.s32 $0x1BF5;
	[smem:$0x3FB9] =	sst s0  }
0x18: {  	s0 =	sld [smem:$0x3F9C];
	_ =	swait.ge [sflag:s4], $0x0  }
0x19: {  	s7 =	sld [smem:$0x3F9D]  }
0x1a: {  	s8 =	sadd.s32 $0xFFFFE003, lr  }
0x1b: {  	s9 =	sadd.s32 $0xFFFFFEF7, lr;
	s5 =	simm.s32 $0xFFFFFFFF;
	p2 =	slt.u32 s8, $0xFFFFF086  }
0x1c: {  	p1 =	slt.u32 s9, $0xF7A;
	s5 =	simm.s32 @!p2 $0x0  }
0x1d: {  	s5 =	simm.s32 @p1 $0x1;
	p0 =	seq.s32 s7, s2  }
0x1e: {  	s7 =	smul.u32 @!p0 $0xF7A, s2;
	p2 =	seq.s32 @!p0 s5, $0x0  }
0x1f: {  	s9 =	smul.u32 $0xF7A, s1;
	s8 =	simm.s32 @!p0 $0x1BF5;
	p2 =	por !p2, p0  }
0x20: {  	[sflag:s8] =	ssyncset.s32 @!p0 $0xFFFFF086;
	s6 =	sadd.s32 @!p0 s3, s7;
	s7 =	simm.s32 @!p0 $0x108  }
0x21: {  	s3 =	sadd.s32 s3, s9;
	s6 =	sadd.s32 @!p0 $0x88, s6;
	s7 =	simm.s32 @p2 $0x1082  }
0x22: {  	[simem:s7], [sflag:s8] =	dma.local @!p0 [hbm:s6], $0xF7A  }
0x23: {  	s9 =	sor.u32 $0xD0000000, s2;
	s6 =	simm.s32 $0x108;
	_ =	swait.ge @!p0 [sflag:s8], $0x0  }
0x24: {  	s3 =	sadd.s32 $0x88, s3;
	s6 =	simm.s32 @!p1 $0x1082;
	[sflag:s4] =	ssyncset.s32 $0xFFFFF086  }
0x25: {  	[simem:s6], [sflag:s4] =	dma.local [hbm:s3], $0xF7A  }
0x26: {  	[smem:$0x3F9D] =	sst s1;
	(tag) =	ssettag s2;
	_ =	strace s9  }
0x27: {  	s1 =	sld [smem:$0x3FAD]  }
0x28: {  	s2 =	sld [smem:$0x3FAE]  }
0x29: {  	s4 =	sld [smem:$0x3FB0]  }
0x2a: {  	p0 =	seq.s32 s5, $0x0;
	s5 =	sld [smem:$0x3FB1]  }
0x2b: {  	s6 =	sld [smem:$0x3FB2]  }
0x2c: {  	s7 =	sld [smem:$0x3FB3]  }
0x2d: {  	s3 =	simm.s32 $0x108;
	s8 =	sld [smem:$0x3FB4]  }
0x2e: {  	s3 =	simm.s32 @!p0 $0x1082;
	s9 =	sld [smem:$0x3FB5]  }
0x2f: {  	lr =	sadd.s32 s0, s3;
	s0 =	sld [smem:$0x3FAC]  }
0x30: {  	s3 =	sld [smem:$0x3FAF]  }
0x31: {  	[smem:$0x3FB8] =	sst s10  }
0x32: {  	s10 =	sld [smem:$0x3FB6];
	_ =	sdelay $0x3  }
0x33: {  	p0 =	seq.s32 s10, $0x1;
	s10 =	sld [smem:$0x3FB8];
	_ =	sdelay $0x3  }
0x34: {  	[smem:$0x3FB8] =	sst s10  }
0x35: {  	s10 =	sld [smem:$0x3FB7];
	_ =	sdelay $0x3  }
0x36: {  	p1 =	seq.s32 s10, $0x1;
	s10 =	sld [smem:$0x3FB8];
	_ =	sdelay $0x3  }
0x37: {  	[smem:$0x3FB8] =	sst s10  }
0x38: {  	s10 =	sld [smem:$0x3FB9]  }
0x39: {  	_ = 	snop;
	(pc) =	sbr.ind lr, $3  }
0x3a: {  	_ = 	snop  }
0x3b: {  	_ = 	snop  }
0x3c: {  	p2 =	seq.s32 s10, $0x1;
	s10 =	sld [smem:$0x3FB8]  }
0x3d: {  	_ =	shalt  }
0x3e: {  	_ =	shalt  }
0x3f: {  	_ =	shalt  }
0x40: {  	_ =	shalt  }
0x41: {  	_ =	shalt  }
0x42: {  	_ =	shalt  }
0x43: {  	_ =	shalt  }
0x44: {  	_ =	shalt  }
0x45: {  	_ =	shalt  }
0x46: {  	_ =	shalt  }
0x47: {  	_ =	shalt  }
0x48: {  	_ =	shalt  }
0x49: {  	_ =	shalt  }
0x4a: {  	_ =	shalt  }
0x4b: {  	_ =	shalt  }
0x4c: {  	_ =	shalt  }
0x4d: {  	_ =	shalt  }
0x4e: {  	_ =	shalt  }
0x4f: {  	_ =	shalt  }
0x50: {  	_ =	shalt  }
0x51: {  	_ =	shalt  }
0x52: {  	_ =	shalt  }
0x53: {  	_ =	shalt  }
0x54: {  	_ =	shalt  }
0x55: {  	_ =	shalt  }
0x56: {  	_ =	shalt  }
0x57: {  	_ =	shalt  }
0x58: {  	_ =	shalt  }
0x59: {  	_ =	shalt  }
0x5a: {  	_ =	shalt  }
0x5b: {  	_ =	shalt  }
0x5c: {  	_ =	shalt  }
0x5d: {  	_ =	shalt  }
0x5e: {  	_ =	shalt  }
0x5f: {  	_ =	shalt  }
0x60: {  	_ =	shalt  }
0x61: {  	_ =	shalt  }
0x62: {  	_ =	shalt  }
0x63: {  	_ =	shalt  }
0x64: {  	_ =	shalt  }
0x65: {  	_ =	shalt  }
0x66: {  	_ =	shalt  }
0x67: {  	_ =	shalt  }
0x68: {  	_ =	shalt  }
0x69: {  	_ =	shalt  }
0x6a: {  	_ =	shalt  }
0x6b: {  	_ =	shalt  }
0x6c: {  	_ =	shalt  }
0x6d: {  	_ =	shalt  }
0x6e: {  	_ =	shalt  }
0x6f: {  	_ =	shalt  }
0x70: {  	_ =	shalt  }
0x71: {  	_ =	shalt  }
0x72: {  	_ =	shalt  }
0x73: {  	_ =	shalt  }
0x74: {  	_ =	shalt  }
0x75: {  	_ =	shalt  }
0x76: {  	_ =	shalt  }
0x77: {  	_ =	shalt  }
0x78: {  	_ =	shalt  }
0x79: {  	_ =	shalt  }
0x7a: {  	_ =	shalt  }
0x7b: {  	_ =	shalt  }
0x7c: {  	_ =	shalt  }
0x7d: {  	_ =	shalt  }
0x7e: {  	_ =	shalt  }
0x7f: {  	_ =	shalt  }
0x80: {  	_ =	shalt  }
0x81: {  	_ =	shalt  }
0x82: {  	_ =	shalt  }
0x83: {  	_ =	shalt  }
0x84: {  	_ =	shalt  }
0x85: {  	_ =	shalt  }
0x86: {  	_ =	shalt  }
0x87: {  	_ =	shalt  }
.Lfunc_end0:
.L_simem_size_0:
called_computation_lowered:
.L_overlay_start_0:
0x88: {  	s2 =	sld [smem:$0x3FD9]  }
0x89: {  	s3 =	sld [smem:$0x3FFE];
	_ =	sdelay $0x1  }
0x8a: {  	s1 =	srdreg.scid  }
0x8b: {  	s0 =	sand.u32 $0x1, s1  }
0x8c: {  	s17 =	sshll.u32 s0, $0xA;
	s2 =	sadd.s32 s3, s2  }
0x8d: {  	s2 =	sadd.s32 s2, s17  }
0x8e: {  	[smem:$0x3FC4] =	sst s2  }
0x8f: {  	_ = 	snop  }
0x90: {  	s2 =	sld [smem:$0x3FC9]  }
0x91: {  	s18 =	sld [smem:$0x3FC8]  }
0x92: {  	s4 =	sld [smem:$0x3FC7];
	(tm) =	ssettm $0x1  }
0x93: {  	s5 =	sld [smem:$0x3FFB];
	_ =	sdelay $0x3  }
0x94: {  	_ =	strace s5  }
0x95: {  	s5 =	sld [smem:$0x3FFC];
	_ =	sdelay $0x3  }
0x96: {  	_ =	strace s5  }
0x97: {  	s5 =	sld [smem:$0x3FFD];
	_ =	sdelay $0x3  }
0x98: {  	_ =	strace s5  }
0x99: {  	_ =	strace $0x8FFFFFFF  }
0x9a: {  	s19 =	sld [smem:$0x3FDB];
	_ =	sdelay $0x1  }
0x9b: {  	s6 =	simm.s32 $_scs_section_size  }
0x9c: {  	s7 =	simm.s32 $_size__tile_overlayer_lowered;
	s8 =	simm.s32 $_tile_overlayer_lowered  }
0x9d: {  	s22 =	simm.s32 $0x1BFF;
	s21 =	sshll.u32 s8, $0x1;
	s5 =	sadd.s32 s6, s19  }
0x9e: {  	s9 =	simm.s32 $0x0;
	s20 =	sshll.u32 s7, $0x1;
	s7 =	sadd.s32 s21, s5  }
0x9f: {  	[timem:s9], [sflag:s22] =	dma.local [hbm:s7], s20  }
0xa0: {  	_ =	swait.ge [sflag:s22], s20  }
0xa1: {  	s6 =	ssub.s32 $0x0, s20;
	[sflag:s22] =	ssyncset.done $0x0  }
0xa2: {  	[sflag:s22] =	ssyncadd.s32 s6;
	_ =	sdelay $0x1  }
0xa3: {  	s23 =	simm.s32 $0x1B8B  }
0xa4: {  	_ =	swait.ge [sflag:s23], $0x1  }
0xa5: {  	[sflag:s23] =	ssyncset.done $0x0  }
0xa6: {  	s25 =	simm.s32 $0x1B8E;
	s24 =	sld [smem:$0x3FFE];
	[sflag:s23] =	ssyncadd.s32 $0xFFFFFFFF  }
0xa7: {  	s26 =	simm.s32 $execute0_lowered;
	[smem:$0x3FD2] =	sst s25  }
0xa8: {  	s7 =	sshll.u32 s26, $0x1;
	_ =	strace $0x80000046;
	[dreg:$0x1] =	wrdreg $0xFFFFFFFF  }
0xa9: {  	s28 =	simm.s32 $_size_execute0_lowered;
	s5 =	sadd.s32 s5, s7;
	[dreg:$0x0] =	wrdreg $0x0  }
0xaa: {  	s7 =	sshll.u32 s28, $0x1;
	[dreg:$0x2] =	wrdreg s5  }
0xab: {  	[dreg:$0x3] =	wrdreg s7  }
0xac: {  	[dreg:$0x4] =	wrdreg $0xC0  }
0xad: {  	_ =	task [dreg:s9], $0x5FFFF  }
0xae: {  	[dreg:$0x1] =	wrdreg $0xFFFFFFFF  }
0xaf: {  	[dreg:$0x0] =	wrdreg $0x60  }
0xb0: {  	[dreg:$0x2] =	wrdreg s2  }
0xb1: {  	[dreg:$0x3] =	wrdreg s18  }
0xb2: {  	[dreg:$0x4] =	wrdreg s4  }
0xb3: {  	[dreg:$0x5] =	wrdreg s24  }
0xb4: {  	[dreg:$0x6] =	wrdreg $0x9  }
0xb5: {  	_ =	task.clear_ibuf [dreg:s9], $0x7FFFF;
	_ =	strace $0x90000046  }
0xb6: {  	s29 =	simm.s32 $0x9;
	_ =	strace $0x80000048  }
0xb7: {  	_ =	swait.ge [sflag:s29], $0x1  }
0xb8: {  	[sflag:s29] =	ssyncadd.s32 $0xFFFFFFFF  }
0xb9: {  	_ =	strace $0x90000048  }
0xba: {  	_ =	sfence  }
0xbb: {  	s30 =	sld [smem:$0x0];
	_ =	sdelay $0x2  }
0xbc: {  	s31 =	sshll.u32 s1, $0xD;
	s1 =	sshrl.u32 s1, $0x2  }
0xbd: {  	s3 =	sand.u32 $0x4000, s31;
	s1 =	sadd.s32 s1, s30  }
0xbe: {  	s0 =	sor.u32 s3, s0;
	s1 =	sshll.u32 s1, $0x11  }
0xbf: {  	s0 =	sor.u32 s1, s0  }
0xc0: {  	s0 =	sadd.s32 $0x8F2B, s0  }
0xc1: {  	[sflag:s0] =	ssyncadd.remote.s32 $0x1  }
0xc2: {  	_ =	sfence.sel $0xFFFF  }
0xc3: {  	[dreg:$0x0] =	wrdreg $0xFFFFFFFF;
	(pc) =	sbr.abs _section_cstart, $3  }
0xc4: {  	[dreg:$0x1] =	wrdreg $0xFFFFFFFF  }
0xc5: {  	_ =	task.clear_ibuf [dreg:s9], $0x2FFFF;
	_ =	strace $0x9FFFFFFF  }
0xc6: {  	(tm) =	ssettm $0x7FFFFFFF  }
0xc7: {  	_ =	shalt  }
tec
execute0_lowered:
.L_overlay_start_1:
0x0: {  	(tag) =	ssettag $0x1  }
0x1: {  	s1 =	rddreg [dreg:$0x0]  }
0x2: {  	s2 =	rddreg [dreg:$0x1]  }
0x3: {  	s3 =	srdreg.scid;
	s4 =	rddreg [dreg:$0x2]  }
0x4: {  	s0 =	stileid.u32;
	s6 =	rddreg [dreg:$0x3]  }
0x5: {  	s15 =	simm.s32 $0x600;
	s16 =	simm.s32 $0x480;
	s17 =	simm.s32 $0x680  }
0x6: {  	s18 =	simm.s32 $0x2;
	s19 =	simm.s32 $0x500;
	s20 =	simm.s32 $0x700  }
0x7: {  	s21 =	simm.s32 $0x580;
	s22 =	simm.s32 $0x780;
	s23 =	simm.s32 $0x3  }
0x8: {  	s24 =	simm.s32 $0x4;
	s28 =	simm.s32 $0x7;
	s29 =	simm.s32 $0x8  }
0x9: {  	s30 =	simm.s32 $0x9;
	s31 =	simm.s32 $0x800;
	s5 =	sand.u32 $0x1, s3  }
0xa: {  	s25 =	sshll.u32 s0, $0x1;
	s8 =	sshrl.u32 s0, $0x2;
	s3 =	simm.s32 $0x0  }
0xb: {  	s11 =	sshll.u32 s0, $0x6;
	s7 =	sor.u32 s5, s25;
	s10 =	sshll.u32 s8, $0xC  }
0xc: {  	[smem:$0x7FF] =	sst s3;
	s8 =	sshll.u32 s8, $0xA;
	s11 =	sand.u32 $0x380, s11  }
0xd: {  	s5 =	ssub.s32 $0x2, s5;
	s25 =	simm.s32 $0x5;
	s9 =	sshll.u32 s7, $0x7  }
0xe: {  	_ =	strace $0x80000047;
	s26 =	sshllo.u32 s7, $0x1;
	s13 =	sshll.u32 s7, $0x5  }
0xf: {  	s0 =	sshrl.u32 s5, $0x1;
	s9 =	sand.u32 $0x380, s9;
	s12 =	sshll.u32 s26, $0x4  }
0x10: {  	s14 =	sadd.s32 s4, s13;
	s26 =	sshll.u32 s26, $0xF;
	s10 =	sor.u32 s10, s9  }
0x11: {  	s8 =	sor.u32 s8, s9;
	s12 =	sand.u32 $0x70, s12;
	[dreg:$0x5] =	wrdreg s14  }
0x12: {  	s9 =	simm.s32 $0x80;
	s14 =	simm.s32 $0x1;
	v1 =	vmov s26;
	s26 =	simm.s32 $0x6  }
0x13: {  	s10 =	sshrl.u32 s10, $0x3;
	s8 =	sshrl.u32 s8, $0x3;
	s11 =	sor.u32 s11, s12  }
0x14: {  	s12 =	ssub.s32 s5, s0;
	s10 =	sadd.s32 s10, s6;
	s4 =	sadd.s32 s4, s11  }
0x15: {  	s8 =	sadd.s32 s8, s6;
	s5 =	sadd.s32 s2, s11;
	s11 =	simm.s32 $0x180  }
0x16: {  	[dreg:$0x6] =	wrdreg s4;
	s6 =	sadd.s32 $0x800, s10;
	s10 =	sshll.u32 s7, $0x10  }
0x17: {  	s4 =	sadd.s32 s2, s13;
	s7 =	sadd.s32 $0x1000, s8;
	s8 =	smax.u32 s12, $0x1;
	v0 =	vmov s10  }
0x18: {  	v3 =	vor.u32 $0x4000, v1;
	s12 =	simm.s32 $0x400;
	s13 =	simm.s32 $0x200;
	s2 =	simm.s32 $0xA;
	v2 =	vor.u32 $0x4000, v0  }
.LBB2_1:
0x19: {  	s0 =	rddreg [dreg:$0x5]  }
0x1a: {  	[tilespmem:s3], [sflag:$0x1] =	stream.linear.gather [hbm4b:s0+s3], $0x80, $0x38;
	[tilespmem:$0x880] =	vst v63  }
0x1b: {  	s10 =	rddreg [dreg:$0x6]  }
0x1c: {  	[tilespmem:s9], [sflag:$0x2] =	stream.linear.gather [hbm4b:s10+s3], $0x80, $0x38;
	[tilespmem:$0x880] =	vst v63  }
0x1d: {  	s10 =	simm.s32 $0x100  }
0x1e: {  	[tilespmem:s10], [sflag:$0x3] =	stream.linear.gather [hbm4b:s4+s3], $0x80, $0x38;
	[tilespmem:$0x880] =	vst v63  }
0x1f: {  	_ = 	snop  }
0x20: {  	[tilespmem:s11], [sflag:$0x4] =	stream.linear.gather [hbm4b:s5+s3], $0x80, $0x38;
	[tilespmem:$0x880] =	vst v63  }
0x21: {  	_ = 	snop  }
0x22: {  	[tilespmem:s13], [sflag:$0x5] =	stream.strided.gather [hbm4b:s6+s9], $0x200, s12, s9, $0x38;
	[tilespmem:$0x880] =	vst v63  }
0x23: {  	_ =	swait.ge [sflag:s14], $0x80  }
0x24: {  	[sflag:s14] =	ssyncset.done $0x0  }
0x25: {  	[sflag:s14] =	ssyncadd.s32 $0xFFFFFF80  }
0x26: {  	v4 =	vld [tilespmem:$0x0];
	_ =	sdelay $0x1  }
0x27: {  	v5 =	vld [tilespmem:$0x10];
	_ =	sdelay $0x1  }
0x28: {  	v6 =	vld [tilespmem:$0x20]  }
0x29: {  	v7 =	vadd.s32 v0, v4  }
0x2a: {  	v39 =	vld [tilespmem:$0x30];
	v4 =	vadd.s32 v2, v4;
	[tilespmem:$0x400] =	vst v7  }
0x2b: {  	[tilespmem:$0x480] =	vst v4;
	v4 =	vadd.s32 v0, v5  }
0x2c: {  	[tilespmem:$0x410] =	vst v4;
	v4 =	vadd.s32 v2, v5;
	v5 =	vld [tilespmem:$0x40]  }
0x2d: {  	[tilespmem:$0x490] =	vst v4;
	v4 =	vadd.s32 v0, v6  }
0x2e: {  	v40 =	vld [tilespmem:$0x50];
	[tilespmem:$0x420] =	vst v4;
	v4 =	vadd.s32 v2, v6  }
0x2f: {  	[tilespmem:$0x4A0] =	vst v4;
	v4 =	vadd.s32 v0, v39  }
0x30: {  	v41 =	vld [tilespmem:$0x60];
	[tilespmem:$0x430] =	vst v4;
	v4 =	vadd.s32 v2, v39  }
0x31: {  	[tilespmem:$0x4B0] =	vst v4;
	v4 =	vadd.s32 v0, v5  }
0x32: {  	[tilespmem:$0x440] =	vst v4;
	v4 =	vadd.s32 v2, v5;
	v5 =	vld [tilespmem:$0x70]  }
0x33: {  	[tilespmem:$0x4C0] =	vst v4;
	v4 =	vadd.s32 v0, v40  }
0x34: {  	[tilespmem:$0x450] =	vst v4;
	v4 =	vadd.s32 v2, v40  }
0x35: {  	[tilespmem:$0x4D0] =	vst v4;
	v4 =	vadd.s32 v0, v41  }
0x36: {  	[tilespmem:$0x460] =	vst v4;
	v4 =	vadd.s32 v2, v41  }
0x37: {  	[tilespmem:$0x4E0] =	vst v4;
	v4 =	vadd.s32 v0, v5  }
0x38: {  	[tilespmem:$0x470] =	vst v4;
	v4 =	vadd.s32 v2, v5  }
0x39: {  	[tilespmem:$0x4F0] =	vst v4  }
0x3a: {  	[tilespmem:s15], [sflag:$0x6] =	stream.indirect.gather [hbm4b:s1+s9], $0x1, s12, s9, $0xb8;
	[tilespmem:$0x880] =	vst v63  }
0x3b: {  	_ = 	snop  }
0x3c: {  	[tilespmem:s17], [sflag:$0x7] =	stream.indirect.gather [hbm4b:s1+s9], $0x1, s16, s9, $0xb8;
	[tilespmem:$0x880] =	vst v63  }
0x3d: {  	_ =	swait.ge [sflag:s18], $0x80  }
0x3e: {  	[sflag:s18] =	ssyncset.done $0x0  }
0x3f: {  	[sflag:s18] =	ssyncadd.s32 $0xFFFFFF80  }
0x40: {  	v4 =	vld [tilespmem:$0x80];
	_ =	sdelay $0x1  }
0x41: {  	v5 =	vld [tilespmem:$0x90];
	_ =	sdelay $0x1  }
0x42: {  	v42 =	vld [tilespmem:$0xA0]  }
0x43: {  	v43 =	vadd.s32 v1, v4  }
0x44: {  	v44 =	vld [tilespmem:$0xB0];
	v4 =	vadd.s32 v3, v4;
	[tilespmem:$0x500] =	vst v43  }
0x45: {  	[tilespmem:$0x580] =	vst v4;
	v4 =	vadd.s32 v1, v5  }
0x46: {  	[tilespmem:$0x510] =	vst v4;
	v4 =	vadd.s32 v3, v5;
	v5 =	vld [tilespmem:$0xC0]  }
0x47: {  	[tilespmem:$0x590] =	vst v4;
	v4 =	vadd.s32 v1, v42  }
0x48: {  	v45 =	vld [tilespmem:$0xD0];
	[tilespmem:$0x520] =	vst v4;
	v4 =	vadd.s32 v3, v42  }
0x49: {  	[tilespmem:$0x5A0] =	vst v4;
	v4 =	vadd.s32 v1, v44  }
0x4a: {  	v46 =	vld [tilespmem:$0xE0];
	[tilespmem:$0x530] =	vst v4;
	v4 =	vadd.s32 v3, v44  }
0x4b: {  	[tilespmem:$0x5B0] =	vst v4;
	v4 =	vadd.s32 v1, v5  }
0x4c: {  	[tilespmem:$0x540] =	vst v4;
	v4 =	vadd.s32 v3, v5;
	v5 =	vld [tilespmem:$0xF0]  }
0x4d: {  	[tilespmem:$0x5C0] =	vst v4;
	v4 =	vadd.s32 v1, v45  }
0x4e: {  	[tilespmem:$0x550] =	vst v4;
	v4 =	vadd.s32 v3, v45  }
0x4f: {  	[tilespmem:$0x5D0] =	vst v4;
	v4 =	vadd.s32 v1, v46  }
0x50: {  	[tilespmem:$0x560] =	vst v4;
	v4 =	vadd.s32 v3, v46  }
0x51: {  	[tilespmem:$0x5E0] =	vst v4;
	v4 =	vadd.s32 v1, v5  }
0x52: {  	[tilespmem:$0x570] =	vst v4;
	v4 =	vadd.s32 v3, v5  }
0x53: {  	[tilespmem:$0x5F0] =	vst v4  }
0x54: {  	[tilespmem:s20], [sflag:$0x8] =	stream.indirect.gather [hbm4b:s1+s9], $0x1, s19, s9, $0xb8;
	[tilespmem:$0x880] =	vst v63  }
0x55: {  	_ = 	snop  }
0x56: {  	[tilespmem:s22], [sflag:$0x9] =	stream.indirect.gather [hbm4b:s1+s9], $0x1, s21, s9, $0xb8;
	[tilespmem:$0x880] =	vst v63  }
0x57: {  	_ =	swait.ge [sflag:s23], $0x80  }
0x58: {  	[sflag:s23] =	ssyncset.done $0x0  }
0x59: {  	[sflag:s23] =	ssyncadd.s32 $0xFFFFFF80  }
0x5a: {  	_ =	swait.ge [sflag:s24], $0x80  }
0x5b: {  	[sflag:s24] =	ssyncset.done $0x0  }
0x5c: {  	[sflag:s24] =	ssyncadd.s32 $0xFFFFFF80  }
0x5d: {  	_ =	swait.ge [sflag:s25], $0x200  }
0x5e: {  	[sflag:s25] =	ssyncset.done $0x0  }
0x5f: {  	[sflag:s25] =	ssyncadd.s32 $0xFFFFFE00  }
0x60: {  	_ =	swait.ge [sflag:s26], $0x80  }
0x61: {  	[sflag:s26] =	ssyncset.done $0x0  }
0x62: {  	[sflag:s26] =	ssyncadd.s32 $0xFFFFFF80  }
0x63: {  	_ =	swait.ge [sflag:s28], $0x80  }
0x64: {  	[sflag:s28] =	ssyncset.done $0x0  }
0x65: {  	[sflag:s28] =	ssyncadd.s32 $0xFFFFFF80  }
0x66: {  	_ =	swait.ge [sflag:s29], $0x80  }
0x67: {  	[sflag:s29] =	ssyncset.done $0x0  }
0x68: {  	[sflag:s29] =	ssyncadd.s32 $0xFFFFFF80  }
0x69: {  	_ =	swait.ge [sflag:s30], $0x80  }
0x6a: {  	[sflag:s30] =	ssyncset.done $0x0  }
0x6b: {  	[sflag:s30] =	ssyncadd.s32 $0xFFFFFF80  }
0x6c: {  	v4 =	vld [tilespmem:$0x100]  }
0x6d: {  	v5 =	vld [tilespmem:$0x600]  }
0x6e: {  	v47 =	vld [tilespmem:$0x200]  }
0x6f: {  	v48 =	vld [tilespmem:$0x680]  }
0x70: {  	v8 =	vld [tilespmem:$0x280]  }
0x71: {  	v9 =	vld [tilespmem:$0x110]  }
0x72: {  	v10 =	vld [tilespmem:$0x610]  }
0x73: {  	v11 =	vld [tilespmem:$0x210]  }
0x74: {  	v12 =	vld [tilespmem:$0x690]  }
0x75: {  	v13 =	vld [tilespmem:$0x290]  }
0x76: {  	v14 =	vld [tilespmem:$0x120]  }
0x77: {  	v15 =	vld [tilespmem:$0x620]  }
0x78: {  	v16 =	vld [tilespmem:$0x220]  }
0x79: {  	v17 =	vld [tilespmem:$0x6A0]  }
0x7a: {  	v18 =	vld [tilespmem:$0x2A0]  }
0x7b: {  	v19 =	vld [tilespmem:$0x130]  }
0x7c: {  	v20 =	vld [tilespmem:$0x630]  }
0x7d: {  	v21 =	vld [tilespmem:$0x230]  }
0x7e: {  	v22 =	vld [tilespmem:$0x6B0]  }
0x7f: {  	v23 =	vld [tilespmem:$0x2B0]  }
0x80: {  	v24 =	vld [tilespmem:$0x140]  }
0x81: {  	v25 =	vld [tilespmem:$0x640]  }
0x82: {  	v26 =	vld [tilespmem:$0x240]  }
0x83: {  	v27 =	vld [tilespmem:$0x6C0]  }
0x84: {  	v28 =	vld [tilespmem:$0x2C0]  }
0x85: {  	v29 =	vld [tilespmem:$0x150]  }
0x86: {  	v30 =	vld [tilespmem:$0x650]  }
0x87: {  	v31 =	vld [tilespmem:$0x250]  }
0x88: {  	v32 =	vld [tilespmem:$0x6D0]  }
0x89: {  	v33 =	vld [tilespmem:$0x2D0]  }
0x8a: {  	v34 =	vld [tilespmem:$0x160]  }
0x8b: {  	v35 =	vld [tilespmem:$0x660]  }
0x8c: {  	v36 =	vld [tilespmem:$0x260]  }
0x8d: {  	v37 =	vld [tilespmem:$0x6E0]  }
0x8e: {  	v49 =	vld [tilespmem:$0x2E0]  }
0x8f: {  	v38 =	vld [tilespmem:$0x670]  }
0x90: {  	v60 =	vld [tilespmem:$0x310]  }
0x91: {  	v63 =	vld [tilespmem:$0x390]  }
0x92: {  	v42 =	vld [tilespmem:$0x720]  }
0x93: {  	v44 =	vld [tilespmem:$0x320]  }
0x94: {  	v45 =	vld [tilespmem:$0x7A0]  }
0x95: {  	v7 =	vsub.f32 v48, v8;
	v8 =	vld [tilespmem:$0x170]  }
0x96: {  	v50 =	vsub.f32 v12, v13;
	v12 =	vld [tilespmem:$0x270]  }
0x97: {  	v5 =	vsub.f32 v5, v47;
	v13 =	vld [tilespmem:$0x2F0]  }
0x98: {  	v10 =	vsub.f32 v10, v11;
	v4 =	vcvt.s32.f32 v4;
	v51 =	vsub.f32 v17, v18;
	v17 =	vld [tilespmem:$0x700]  }
0x99: {  	v9 =	vcvt.s32.f32 v9;
	v15 =	vsub.f32 v15, v16;
	v52 =	vsub.f32 v20, v21;
	v20 =	vld [tilespmem:$0x300]  }
0x9a: {  	v53 =	vsub.f32 v22, v23;
	v22 =	vld [tilespmem:$0x780];
	v54 =	vcvt.s32.f32 v14;
	v58 =	vsub.f32 v25, v26  }
0x9b: {  	v18 =	vld [tilespmem:$0x190];
	v19 =	vcvt.s32.f32 v19;
	v59 =	vsub.f32 v27, v28;
	v40 =	vsub.f32 v30, v31  }
0x9c: {  	v39 =	vcvt.s32.f32 v24;
	v21 =	vld [tilespmem:$0x1A0];
	v41 =	vsub.f32 v32, v33;
	v43 =	vsub.f32 v35, v36  }
0x9d: {  	v6 =	vsub.f32 v37, v49;
	v46 =	vcvt.s32.f32 v29;
	v47 =	vld [tilespmem:$0x3A0];
	v33 =	vsub.f32 v42, v44  }
0x9e: {  	v49 =	vld [tilespmem:$0x1B0];
	v5 =	vand.u32 $0x7FFFFFFF, v5;
	v7 =	vand.u32 $0x7FFFFFFF, v7;
	v10 =	vand.u32 $0x7FFFFFFF, v10  }
0x9f: {  	v29 =	vld [tilespmem:$0x1D0];
	v11 =	vand.u32 $0x7FFFFFFF, v50;
	v15 =	vand.u32 $0x7FFFFFFF, v15;
	v16 =	vand.u32 $0x7FFFFFFF, v51  }
0xa0: {  	v32 =	vld [tilespmem:$0x750];
	v56 =	vand.u32 $0x7FFFFFFF, v52;
	v57 =	vand.u32 $0x7FFFFFFF, v53;
	v61 =	vand.u32 $0x7FFFFFFF, v58  }
0xa1: {  	v35 =	vld [tilespmem:$0x350];
	v62 =	vand.u32 $0x7FFFFFFF, v59;
	v24 =	vand.u32 $0x7FFFFFFF, v40;
	v26 =	vand.u32 $0x7FFFFFFF, v41  }
0xa2: {  	v42 =	vld [tilespmem:$0x360];
	v48 =	vand.u32 $0x7FFFFFFF, v43;
	v6 =	vand.u32 $0x7FFFFFFF, v6;
	v5 =	vadd.f32 v7, v5  }
0xa3: {  	v50 =	vcvt.s32.f32 v34;
	v51 =	vld [tilespmem:$0x730];
	v10 =	vadd.f32 v11, v10;
	v55 =	vadd.f32 v16, v15  }
0xa4: {  	v37 =	vand.u32 $0x7FFFFFFF, v33;
	v7 =	vld [tilespmem:$0x6F0];
	v24 =	vadd.f32 v26, v24;
	v6 =	vadd.f32 v6, v48  }
0xa5: {  	v15 =	vld [tilespmem:$0x380];
	v5 =	vmul.f32 v4, v5;
	v10 =	vmul.f32 v9, v10;
	v4 =	vadd.f32 v9, v4  }
0xa6: {  	v16 =	vld [tilespmem:$0x710];
	v14 =	vmul.f32 v54, v55;
	v9 =	vadd.f32 v57, v56;
	v24 =	vmul.f32 v46, v24  }
0xa7: {  	v53 =	vld [tilespmem:$0x7B0];
	v12 =	vsub.f32 v38, v12;
	v6 =	vmul.f32 v50, v6;
	v56 =	vcvt.s32.f32 v8  }
0xa8: {  	v11 =	vld [tilespmem:$0x180];
	v58 =	vsub.f32 v17, v20;
	v31 =	vcvt.s32.f32 v18;
	v34 =	vsub.f32 v45, v47  }
0xa9: {  	v55 =	vld [tilespmem:$0x3B0];
	v40 =	vcvt.s32.f32 v21;
	v5 =	vadd.f32 $0.0e+00, v5;
	v4 =	vadd.f32 v54, v4  }
0xaa: {  	v57 =	vld [tilespmem:$0x1C0];
	v9 =	vmul.f32 v19, v9;
	v7 =	vsub.f32 v7, v13;
	v15 =	vsub.f32 v22, v15  }
0xab: {  	v52 =	vld [tilespmem:$0x330];
	v54 =	vand.u32 $0x7FFFFFFF, v12;
	v16 =	vsub.f32 v16, v60;
	v5 =	vadd.f32 v10, v5  }
0xac: {  	v59 =	vld [tilespmem:$0x740];
	v38 =	vand.u32 $0x7FFFFFFF, v34;
	v10 =	vadd.f32 v62, v61;
	v4 =	vadd.f32 v19, v4  }
0xad: {  	v60 =	vld [tilespmem:$0x340];
	v62 =	vcvt.s32.f32 v11;
	v7 =	vand.u32 $0x7FFFFFFF, v7;
	v15 =	vand.u32 $0x7FFFFFFF, v15  }
0xae: {  	v44 =	vld [tilespmem:$0x7E0];
	v25 =	vand.u32 $0x7FFFFFFF, v16;
	v12 =	vsub.f32 v53, v55;
	v5 =	vadd.f32 v14, v5  }
0xaf: {  	v45 =	vld [tilespmem:$0x3E0];
	v8 =	vcvt.s32.f32 v57;
	v57 =	vcvt.s32.f32 v29;
	v4 =	vadd.f32 v39, v4  }
0xb0: {  	v14 =	vld [tilespmem:$0x790];
	v10 =	vmul.f32 v39, v10;
	v7 =	vadd.f32 v7, v54;
	v5 =	vadd.f32 v9, v5  }
0xb1: {  	v54 =	vld [tilespmem:$0x1E0];
	v12 =	vand.u32 $0x7FFFFFFF, v12;
	v4 =	vadd.f32 v46, v4;
	v9 =	vsub.f32 v51, v52  }
0xb2: {  	v41 =	vld [tilespmem:$0x760];
	v7 =	vmul.f32 v56, v7;
	v43 =	vsub.f32 v59, v60;
	v5 =	vadd.f32 v10, v5  }
0xb3: {  	v47 =	vld [tilespmem:$0x770];
	v46 =	vcvt.s32.f32 v49;
	v4 =	vadd.f32 v50, v4;
	v10 =	vand.u32 $0x7FFFFFFF, v58  }
0xb4: {  	v49 =	vld [tilespmem:$0x370];
	v9 =	vand.u32 $0x7FFFFFFF, v9;
	v58 =	vsub.f32 v44, v45;
	v5 =	vadd.f32 v24, v5  }
0xb5: {  	v61 =	vld [tilespmem:$0x7C0];
	v48 =	vand.u32 $0x7FFFFFFF, v43;
	v14 =	vsub.f32 v14, v63;
	v10 =	vadd.f32 v15, v10  }
0xb6: {  	v63 =	vld [tilespmem:$0x3C0];
	v9 =	vadd.f32 v12, v9;
	v60 =	vcvt.s32.f32 v54;
	v5 =	vadd.f32 v6, v5  }
0xb7: {  	v36 =	vld [tilespmem:$0x7D0];
	v4 =	vadd.f32 v56, v4;
	v56 =	vsub.f32 v41, v42;
	v14 =	vand.u32 $0x7FFFFFFF, v14  }
0xb8: {  	v39 =	vld [tilespmem:$0x3D0];
	v10 =	vmul.f32 v62, v10;
	v6 =	vadd.f32 v14, v25;
	v5 =	vadd.f32 v7, v5  }
0xb9: {  	v13 =	vand.u32 $0x7FFFFFFF, v58;
	v12 =	vsub.f32 v47, v49;
	v4 =	vadd.f32 v62, v4  }
0xba: {  	v6 =	vmul.f32 v31, v6;
	v7 =	vadd.f32 v38, v37;
	v5 =	vadd.f32 v10, v5  }
0xbb: {  	v51 =	vld [tilespmem:$0x3F0];
	v9 =	vmul.f32 v46, v9;
	v4 =	vadd.f32 v31, v4;
	v11 =	vsub.f32 v61, v63  }
0xbc: {  	v50 =	vld [tilespmem:$0x7F0];
	v14 =	vsub.f32 v32, v35;
	v7 =	vmul.f32 v40, v7;
	v5 =	vadd.f32 v6, v5  }
0xbd: {  	v4 =	vadd.f32 v40, v4;
	v11 =	vand.u32 $0x7FFFFFFF, v11;
	v10 =	vsub.f32 v36, v39  }
0xbe: {  	v59 =	vld [tilespmem:$0x1F0];
	v52 =	vand.u32 $0x7FFFFFFF, v14;
	v6 =	vadd.f32 v11, v48;
	v5 =	vadd.f32 v7, v5  }
0xbf: {  	v61 =	vand.u32 $0x7FFFFFFF, v12;
	v4 =	vadd.f32 v46, v4;
	v53 =	vand.u32 $0x7FFFFFFF, v10  }
0xc0: {  	v55 =	vadd.f32 v53, v52;
	v6 =	vmul.f32 v8, v6;
	v5 =	vadd.f32 v9, v5  }
0xc1: {  	v11 =	vsub.f32 v50, v51;
	v7 =	vand.u32 $0x7FFFFFFF, v56;
	v4 =	vadd.f32 v8, v4  }
0xc2: {  	v7 =	vadd.f32 v13, v7;
	v5 =	vadd.f32 v6, v5;
	v6 =	vmul.f32 v57, v55  }
0xc3: {  	v63 =	vcvt.s32.f32 v59;
	v62 =	vand.u32 $0x7FFFFFFF, v11;
	v4 =	vadd.f32 v57, v4  }
0xc4: {  	v7 =	vmul.f32 v60, v7;
	v5 =	vadd.f32 v6, v5;
	v6 =	vadd.f32 v62, v61  }
0xc5: {  	v4 =	vadd.f32 v60, v4  }
0xc6: {  	v5 =	vadd.f32 v7, v5;
	v6 =	vmul.f32 v63, v6  }
0xc7: {  	v4 =	vadd.f32 v63, v4  }
0xc8: {  	v5 =	vadd.f32 v6, v5  }
0xc9: {  	p0 =	sne.s32 s8, $0x1;
	[tilespmem:$0x810] =	vst v4  }
.Ltmp0:
0xca: {  	[tilespmem:$0x800] =	vst v5;
	(pc) =	sbr.rel @p0 .LBB2_1-.Ltmp0, $4  }
0xcb: {  	[hbm4b:s7+s3] =	stream.linear.scatter [tilespmem:s31], [sflag:$0xA], $0x80, $0x38;
	[tilespmem:$0x880] =	vst v63  }
0xcc: {  	_ =	swait.ge [sflag:s2], $0x80  }
0xcd: {  	[sflag:s2] =	ssyncset.done $0x0  }
0xce: {  	s8 =	sadd.s32 $0xFFFFFFFF, s8;
	[sflag:s2] =	ssyncadd.s32 $0xFFFFFF80  }
0xcf: {  	_ =	sfence.sel $0x180000  }
0xd0: {  	[bflag:$0x0] =	sbarrier.arrive $0xFFFF  }
0xd1: {  	_ =	strace $0x90000047  }
0xd2: {  	s0 =	stileid.u32;
	[bflag:$0x2] =	sbarrier.arrive $0xFFFF  }
0xd3: {  	p0 =	sne.s32 s0, $0x0;
	s0 =	rddreg [dreg:$0x4]  }
0xd4: {  	s0 =	sadd.s32 @!p0 $0x100000, s0  }
0xd5: {  	[sflag:s0] =	ssyncadd.tile.s32 @!p0 $0x1;
	_ =	shalt  }
.Lfunc_end2:
_tile_overlayer_lowered:
.L_overlay_start_2:
0xd6: {  	(tag) =	ssettag $0x2  }
0xd7: {  	s0 =	rddreg [dreg:$0x0];
	s2 =	stileid.u32  }
0xd8: {  	s1 =	rddreg [dreg:$0x1];
	p0 =	sne.s32 s2, $0x0  }
0xd9: {  	s3 =	rddreg [dreg:$0x2];
	[bflag:$0x3] =	sbarrier.arrive $0xFFFF;
	s2 =	simm.s32 @!p0 $0x1C0A  }
0xda: {  	[timem:s3], [sflag:s2] =	dma.local @!p0 [hbm:s0], s1  }
0xdb: {  	s0 =	simm.s32 @!p0 $0xA  }
0xdc: {  	_ =	swait.ge @!p0 [sflag:s0], s1  }
0xdd: {  	s1 =	ssub.s32 @!p0 $0x0, s1;
	[sflag:s0] =	ssyncset.done @!p0 $0x0  }
0xde: {  	[sflag:s0] =	ssyncadd.s32 @!p0 s1  }
0xdf: {  	[bflag:$0x3] =	sbarrier.arrive $0xFFFF  }
0xe0: {  	_ =	shalt  }

// kernel: kernel.7.cloned.1.call-start
scs
__scs_entry_jumppad:
0x0: {  	(pc) =	sbr.rel $0x88, $3  }
0x1: {  	(tag) =	ssettag $0x0;
	lr =	simm.s32 $0x1  }
0x2: {  	[smem:$0x3F9D] =	sst lr;
	_ =	strace $0xD0000000  }
0x3: {  	_ = 	snop  }
0x4: {  	_ = 	snop  }
0x5: {  	_ = 	snop  }
0x6: {  	_ = 	snop  }
0x7: {  	_ = 	snop  }
__scs_overlays_trampoline_lowered:
0x8: {  	[smem:$0x3FAC] =	sst s0  }
0x9: {  	[smem:$0x3FAD] =	sst s1  }
0xa: {  	[smem:$0x3FAE] =	sst s2  }
0xb: {  	[smem:$0x3FAF] =	sst s3  }
0xc: {  	[smem:$0x3FB0] =	sst s4  }
0xd: {  	[smem:$0x3FB1] =	sst s5  }
0xe: {  	[smem:$0x3FB2] =	sst s6  }
0xf: {  	[smem:$0x3FB3] =	sst s7  }
0x10: {  	[smem:$0x3FB4] =	sst s8  }
0x11: {  	[smem:$0x3FB5] =	sst s9;
	s0 =	simm.s32 @!p0 $0x0  }
0x12: {  	s1 =	sld [smem:$0x3F9B];
	s0 =	simm.s32 @p0 $0x1  }
0x13: {  	[smem:$0x3FB6] =	sst s0;
	s0 =	simm.s32 @!p1 $0x0  }
0x14: {  	s2 =	sld [smem:$0x3F9A];
	s0 =	simm.s32 @p1 $0x1  }
0x15: {  	[smem:$0x3FB7] =	sst s0;
	s0 =	simm.s32 @!p2 $0x0  }
0x16: {  	s3 =	sld [smem:$0x3FDB];
	s0 =	simm.s32 @p2 $0x1  }
0x17: {  	s4 =	simm.s32 $0x1BF5;
	[smem:$0x3FB9] =	sst s0  }
0x18: {  	s0 =	sld [smem:$0x3F9C];
	_ =	swait.ge [sflag:s4], $0x0  }
0x19: {  	s7 =	sld [smem:$0x3F9D]  }
0x1a: {  	s8 =	sadd.s32 $0xFFFFE003, lr  }
0x1b: {  	s9 =	sadd.s32 $0xFFFFFEF7, lr;
	s5 =	simm.s32 $0xFFFFFFFF;
	p2 =	slt.u32 s8, $0xFFFFF086  }
0x1c: {  	p1 =	slt.u32 s9, $0xF7A;
	s5 =	simm.s32 @!p2 $0x0  }
0x1d: {  	s5 =	simm.s32 @p1 $0x1;
	p0 =	seq.s32 s7, s2  }
0x1e: {  	s7 =	smul.u32 @!p0 $0xF7A, s2;
	p2 =	seq.s32 @!p0 s5, $0x0  }
0x1f: {  	s9 =	smul.u32 $0xF7A, s1;
	s8 =	simm.s32 @!p0 $0x1BF5;
	p2 =	por !p2, p0  }
0x20: {  	[sflag:s8] =	ssyncset.s32 @!p0 $0xFFFFF086;
	s6 =	sadd.s32 @!p0 s3, s7;
	s7 =	simm.s32 @!p0 $0x108  }
0x21: {  	s3 =	sadd.s32 s3, s9;
	s6 =	sadd.s32 @!p0 $0x88, s6;
	s7 =	simm.s32 @p2 $0x1082  }
0x22: {  	[simem:s7], [sflag:s8] =	dma.local @!p0 [hbm:s6], $0xF7A  }
0x23: {  	s9 =	sor.u32 $0xD0000000, s2;
	s6 =	simm.s32 $0x108;
	_ =	swait.ge @!p0 [sflag:s8], $0x0  }
0x24: {  	s3 =	sadd.s32 $0x88, s3;
	s6 =	simm.s32 @!p1 $0x1082;
	[sflag:s4] =	ssyncset.s32 $0xFFFFF086  }
0x25: {  	[simem:s6], [sflag:s4] =	dma.local [hbm:s3], $0xF7A  }
0x26: {  	[smem:$0x3F9D] =	sst s1;
	(tag) =	ssettag s2;
	_ =	strace s9  }
0x27: {  	s1 =	sld [smem:$0x3FAD]  }
0x28: {  	s2 =	sld [smem:$0x3FAE]  }
0x29: {  	s4 =	sld [smem:$0x3FB0]  }
0x2a: {  	p0 =	seq.s32 s5, $0x0;
	s5 =	sld [smem:$0x3FB1]  }
0x2b: {  	s6 =	sld [smem:$0x3FB2]  }
0x2c: {  	s7 =	sld [smem:$0x3FB3]  }
0x2d: {  	s3 =	simm.s32 $0x108;
	s8 =	sld [smem:$0x3FB4]  }
0x2e: {  	s3 =	simm.s32 @!p0 $0x1082;
	s9 =	sld [smem:$0x3FB5]  }
0x2f: {  	lr =	sadd.s32 s0, s3;
	s0 =	sld [smem:$0x3FAC]  }
0x30: {  	s3 =	sld [smem:$0x3FAF]  }
0x31: {  	[smem:$0x3FB8] =	sst s10  }
0x32: {  	s10 =	sld [smem:$0x3FB6];
	_ =	sdelay $0x3  }
0x33: {  	p0 =	seq.s32 s10, $0x1;
	s10 =	sld [smem:$0x3FB8];
	_ =	sdelay $0x3  }
0x34: {  	[smem:$0x3FB8] =	sst s10  }
0x35: {  	s10 =	sld [smem:$0x3FB7];
	_ =	sdelay $0x3  }
0x36: {  	p1 =	seq.s32 s10, $0x1;
	s10 =	sld [smem:$0x3FB8];
	_ =	sdelay $0x3  }
0x37: {  	[smem:$0x3FB8] =	sst s10  }
0x38: {  	s10 =	sld [smem:$0x3FB9]  }
0x39: {  	_ = 	snop;
	(pc) =	sbr.ind lr, $3  }
0x3a: {  	_ = 	snop  }
0x3b: {  	_ = 	snop  }
0x3c: {  	p2 =	seq.s32 s10, $0x1;
	s10 =	sld [smem:$0x3FB8]  }
0x3d: {  	_ =	shalt  }
0x3e: {  	_ =	shalt  }
0x3f: {  	_ =	shalt  }
0x40: {  	_ =	shalt  }
0x41: {  	_ =	shalt  }
0x42: {  	_ =	shalt  }
0x43: {  	_ =	shalt  }
0x44: {  	_ =	shalt  }
0x45: {  	_ =	shalt  }
0x46: {  	_ =	shalt  }
0x47: {  	_ =	shalt  }
0x48: {  	_ =	shalt  }
0x49: {  	_ =	shalt  }
0x4a: {  	_ =	shalt  }
0x4b: {  	_ =	shalt  }
0x4c: {  	_ =	shalt  }
0x4d: {  	_ =	shalt  }
0x4e: {  	_ =	shalt  }
0x4f: {  	_ =	shalt  }
0x50: {  	_ =	shalt  }
0x51: {  	_ =	shalt  }
0x52: {  	_ =	shalt  }
0x53: {  	_ =	shalt  }
0x54: {  	_ =	shalt  }
0x55: {  	_ =	shalt  }
0x56: {  	_ =	shalt  }
0x57: {  	_ =	shalt  }
0x58: {  	_ =	shalt  }
0x59: {  	_ =	shalt  }
0x5a: {  	_ =	shalt  }
0x5b: {  	_ =	shalt  }
0x5c: {  	_ =	shalt  }
0x5d: {  	_ =	shalt  }
0x5e: {  	_ =	shalt  }
0x5f: {  	_ =	shalt  }
0x60: {  	_ =	shalt  }
0x61: {  	_ =	shalt  }
0x62: {  	_ =	shalt  }
0x63: {  	_ =	shalt  }
0x64: {  	_ =	shalt  }
0x65: {  	_ =	shalt  }
0x66: {  	_ =	shalt  }
0x67: {  	_ =	shalt  }
0x68: {  	_ =	shalt  }
0x69: {  	_ =	shalt  }
0x6a: {  	_ =	shalt  }
0x6b: {  	_ =	shalt  }
0x6c: {  	_ =	shalt  }
0x6d: {  	_ =	shalt  }
0x6e: {  	_ =	shalt  }
0x6f: {  	_ =	shalt  }
0x70: {  	_ =	shalt  }
0x71: {  	_ =	shalt  }
0x72: {  	_ =	shalt  }
0x73: {  	_ =	shalt  }
0x74: {  	_ =	shalt  }
0x75: {  	_ =	shalt  }
0x76: {  	_ =	shalt  }
0x77: {  	_ =	shalt  }
0x78: {  	_ =	shalt  }
0x79: {  	_ =	shalt  }
0x7a: {  	_ =	shalt  }
0x7b: {  	_ =	shalt  }
0x7c: {  	_ =	shalt  }
0x7d: {  	_ =	shalt  }
0x7e: {  	_ =	shalt  }
0x7f: {  	_ =	shalt  }
0x80: {  	_ =	shalt  }
0x81: {  	_ =	shalt  }
0x82: {  	_ =	shalt  }
0x83: {  	_ =	shalt  }
0x84: {  	_ =	shalt  }
0x85: {  	_ =	shalt  }
0x86: {  	_ =	shalt  }
0x87: {  	_ =	shalt  }
.Lfunc_end0:
.L_simem_size_0:
called_computation.1_lowered:
.L_overlay_start_0:
0x88: {  	s0 =	sld [smem:$0x3FD9]  }
0x89: {  	s1 =	sld [smem:$0x3FFE];
	_ =	sdelay $0x3  }
0x8a: {  	s0 =	sadd.s32 s1, s0  }
0x8b: {  	[smem:$0x3FC4] =	sst s0  }
0x8c: {  	_ = 	snop  }
0x8d: {  	s0 =	sld [smem:$0x3FD0];
	(tm) =	ssettm $0x1  }
0x8e: {  	s16 =	sld [smem:$0x3FFB];
	_ =	sdelay $0x3  }
0x8f: {  	_ =	strace s16  }
0x90: {  	s1 =	sld [smem:$0x3FFC];
	_ =	sdelay $0x3  }
0x91: {  	_ =	strace s1  }
0x92: {  	s1 =	sld [smem:$0x3FFD];
	_ =	sdelay $0x3  }
0x93: {  	_ =	strace s1  }
0x94: {  	_ =	strace $0x8FFFFFFF  }
0x95: {  	s17 =	sld [smem:$0x3FDB];
	_ =	sdelay $0x1  }
0x96: {  	s2 =	simm.s32 $_scs_section_size  }
0x97: {  	s3 =	simm.s32 $_size__tile_overlayer_lowered;
	s4 =	simm.s32 $_tile_overlayer_lowered  }
0x98: {  	s20 =	simm.s32 $0x1BFF;
	s19 =	sshll.u32 s4, $0x1;
	s1 =	sadd.s32 s2, s17  }
0x99: {  	s5 =	simm.s32 $0x0;
	s18 =	sshll.u32 s3, $0x1;
	s3 =	sadd.s32 s19, s1  }
0x9a: {  	[timem:s5], [sflag:s20] =	dma.local [hbm:s3], s18  }
0x9b: {  	_ =	swait.ge [sflag:s20], s18  }
0x9c: {  	s2 =	ssub.s32 $0x0, s18;
	[sflag:s20] =	ssyncset.done $0x0  }
0x9d: {  	[sflag:s20] =	ssyncadd.s32 s2;
	_ =	sdelay $0x1  }
0x9e: {  	s21 =	simm.s32 $0x1B8B  }
0x9f: {  	_ =	swait.ge [sflag:s21], $0x1  }
0xa0: {  	[sflag:s21] =	ssyncset.done $0x0  }
0xa1: {  	s23 =	simm.s32 $0x1B8E;
	s22 =	sld [smem:$0x3FFE];
	[sflag:s21] =	ssyncadd.s32 $0xFFFFFFFF  }
0xa2: {  	s24 =	simm.s32 $execute0_lowered;
	[smem:$0x3FD2] =	sst s23  }
0xa3: {  	s3 =	sshll.u32 s24, $0x1;
	_ =	strace $0x80000049;
	[dreg:$0x1] =	wrdreg $0xFFFFFFFF  }
0xa4: {  	s25 =	simm.s32 $_size_execute0_lowered;
	s1 =	sadd.s32 s1, s3;
	[dreg:$0x0] =	wrdreg $0x0  }
0xa5: {  	s3 =	sshll.u32 s25, $0x1;
	[dreg:$0x2] =	wrdreg s1  }
0xa6: {  	[dreg:$0x3] =	wrdreg s3  }
0xa7: {  	[dreg:$0x4] =	wrdreg $0xC0  }
0xa8: {  	_ =	task [dreg:s5], $0x5FFFF  }
0xa9: {  	[dreg:$0x1] =	wrdreg $0xFFFFFFFF  }
0xaa: {  	[dreg:$0x0] =	wrdreg $0x60  }
0xab: {  	[dreg:$0x2] =	wrdreg s22  }
0xac: {  	[dreg:$0x3] =	wrdreg s0  }
0xad: {  	[dreg:$0x4] =	wrdreg $0x9  }
0xae: {  	_ =	task.clear_ibuf [dreg:s5], $0x5FFFF;
	_ =	strace $0x90000049  }
0xaf: {  	s26 =	simm.s32 $0x9;
	_ =	strace $0x8000004B  }
0xb0: {  	_ =	swait.ge [sflag:s26], $0x1  }
0xb1: {  	[sflag:s26] =	ssyncadd.s32 $0xFFFFFFFF  }
0xb2: {  	_ =	strace $0x9000004B  }
0xb3: {  	_ =	sfence  }
0xb4: {  	s28 =	sld [smem:$0x0];
	_ =	sdelay $0x1  }
0xb5: {  	s29 =	srdreg.scid  }
0xb6: {  	s30 =	sshll.u32 s29, $0xD;
	s31 =	sshrl.u32 s29, $0x2  }
0xb7: {  	s2 =	sand.u32 $0x4000, s30;
	s1 =	sand.u32 $0x1, s29;
	s0 =	sadd.s32 s31, s28  }
0xb8: {  	s1 =	sor.u32 s2, s1;
	s0 =	sshll.u32 s0, $0x11  }
0xb9: {  	s0 =	sor.u32 s0, s1  }
0xba: {  	s0 =	sadd.s32 $0x8F2B, s0  }
0xbb: {  	[sflag:s0] =	ssyncadd.remote.s32 $0x1  }
0xbc: {  	_ =	sfence.sel $0xFFFF  }
0xbd: {  	[dreg:$0x0] =	wrdreg $0xFFFFFFFF;
	(pc) =	sbr.abs _section_cstart, $3  }
0xbe: {  	[dreg:$0x1] =	wrdreg $0xFFFFFFFF  }
0xbf: {  	_ =	task.clear_ibuf [dreg:s5], $0x2FFFF;
	_ =	strace $0x9FFFFFFF  }
0xc0: {  	(tm) =	ssettm $0x7FFFFFFF  }
0xc1: {  	_ =	shalt  }
tec
execute0_lowered:
.L_overlay_start_1:
0x0: {  	(tag) =	ssettag $0x1  }
0x1: {  	s2 =	rddreg [dreg:$0x0]  }
0x2: {  	s1 =	rddreg [dreg:$0x1];
	s3 =	stileid.u32  }
0x3: {  	s0 =	rddreg [dreg:$0x2];
	_ =	strace $0x8000004A;
	p0 =	sne.s32 s3, $0x0  }
0x4: {  	_ =	sfence.sel @p0 $0x180000  }
0x5: {  	[bflag:$0x0] =	sbarrier.arrive @p0 $0xFFFF  }
0x6: {  	_ =	strace @p0 $0x9000004A  }
0x7: {  	[bflag:$0x2] =	sbarrier.arrive @p0 $0xFFFF  }
0x8: {  	_ =	shalt @p0  }
.LBB2_1:
0x9: {  	s3 =	sadd.s32 $0x1000, s2;
	s2 =	simm.s32 $0x0;
	s23 =	simm.s32 $0x1  }
0xa: {  	[tilespmem:s2], [sflag:$0x1] =	stream.linear.gather [hbm4b:s3+s2], $0x1000, $0x38;
	[tilespmem:$0x1080] =	vst v63  }
0xb: {  	_ =	swait.ge [sflag:s23], $0x1000  }
0xc: {  	[sflag:s23] =	ssyncset.done $0x0  }
0xd: {  	[sflag:s23] =	ssyncadd.s32 $0xFFFFF000  }
0xe: {  	v0 =	vld [tilespmem:$0x0]  }
0xf: {  	v1 =	vld [tilespmem:$0x10]  }
0x10: {  	v2 =	vld [tilespmem:$0x80]  }
0x11: {  	v3 =	vld [tilespmem:$0x90]  }
0x12: {  	v4 =	vld [tilespmem:$0x100]  }
0x13: {  	v5 =	vld [tilespmem:$0x110];
	v0 =	vadd.f32 $0.0e+00, v0  }
0x14: {  	v6 =	vld [tilespmem:$0x180];
	v1 =	vadd.f32 $0.0e+00, v1  }
0x15: {  	v61 =	vld [tilespmem:$0x190];
	v0 =	vadd.f32 v2, v0  }
0x16: {  	v62 =	vld [tilespmem:$0x200];
	v1 =	vadd.f32 v3, v1  }
0x17: {  	v63 =	vld [tilespmem:$0x210];
	v0 =	vadd.f32 v4, v0  }
0x18: {  	v9 =	vld [tilespmem:$0x280];
	v1 =	vadd.f32 v5, v1  }
0x19: {  	v10 =	vld [tilespmem:$0x290];
	v0 =	vadd.f32 v6, v0  }
0x1a: {  	v11 =	vld [tilespmem:$0x300];
	v1 =	vadd.f32 v61, v1  }
0x1b: {  	v12 =	vld [tilespmem:$0x310];
	v0 =	vadd.f32 v62, v0  }
0x1c: {  	v13 =	vld [tilespmem:$0x380];
	v1 =	vadd.f32 v63, v1  }
0x1d: {  	v14 =	vld [tilespmem:$0x390];
	v0 =	vadd.f32 v9, v0  }
0x1e: {  	v15 =	vld [tilespmem:$0x400];
	v1 =	vadd.f32 v10, v1  }
0x1f: {  	v16 =	vld [tilespmem:$0x410];
	v0 =	vadd.f32 v11, v0  }
0x20: {  	v17 =	vld [tilespmem:$0x480];
	v1 =	vadd.f32 v12, v1  }
0x21: {  	v18 =	vld [tilespmem:$0x490];
	v0 =	vadd.f32 v13, v0  }
0x22: {  	v19 =	vld [tilespmem:$0x500];
	v1 =	vadd.f32 v14, v1  }
0x23: {  	v20 =	vld [tilespmem:$0x510];
	v0 =	vadd.f32 v15, v0  }
0x24: {  	v21 =	vld [tilespmem:$0x580];
	v1 =	vadd.f32 v16, v1  }
0x25: {  	v22 =	vld [tilespmem:$0x590];
	v0 =	vadd.f32 v17, v0  }
0x26: {  	v23 =	vld [tilespmem:$0x600];
	v1 =	vadd.f32 v18, v1  }
0x27: {  	v24 =	vld [tilespmem:$0x610];
	v0 =	vadd.f32 v19, v0  }
0x28: {  	v25 =	vld [tilespmem:$0x680];
	v1 =	vadd.f32 v20, v1  }
0x29: {  	v26 =	vld [tilespmem:$0x690];
	v0 =	vadd.f32 v21, v0  }
0x2a: {  	v27 =	vld [tilespmem:$0x700];
	v1 =	vadd.f32 v22, v1  }
0x2b: {  	v28 =	vld [tilespmem:$0x710];
	v0 =	vadd.f32 v23, v0  }
0x2c: {  	v29 =	vld [tilespmem:$0x780];
	v1 =	vadd.f32 v24, v1  }
0x2d: {  	v30 =	vld [tilespmem:$0x790];
	v0 =	vadd.f32 v25, v0  }
0x2e: {  	v31 =	vld [tilespmem:$0x800];
	v1 =	vadd.f32 v26, v1  }
0x2f: {  	v32 =	vld [tilespmem:$0x810];
	v0 =	vadd.f32 v27, v0  }
0x30: {  	v33 =	vld [tilespmem:$0x880];
	v1 =	vadd.f32 v28, v1  }
0x31: {  	v34 =	vld [tilespmem:$0x890];
	v0 =	vadd.f32 v29, v0  }
0x32: {  	v35 =	vld [tilespmem:$0x900];
	v1 =	vadd.f32 v30, v1  }
0x33: {  	v36 =	vld [tilespmem:$0x910];
	v0 =	vadd.f32 v31, v0  }
0x34: {  	v37 =	vld [tilespmem:$0x980];
	v1 =	vadd.f32 v32, v1  }
0x35: {  	v38 =	vld [tilespmem:$0x990];
	v0 =	vadd.f32 v33, v0  }
0x36: {  	v39 =	vld [tilespmem:$0xA00];
	v1 =	vadd.f32 v34, v1  }
0x37: {  	v40 =	vld [tilespmem:$0xA10];
	v0 =	vadd.f32 v35, v0  }
0x38: {  	v41 =	vld [tilespmem:$0xA80];
	v1 =	vadd.f32 v36, v1  }
0x39: {  	v42 =	vld [tilespmem:$0xA90];
	v0 =	vadd.f32 v37, v0  }
0x3a: {  	v43 =	vld [tilespmem:$0xB00];
	v1 =	vadd.f32 v38, v1  }
0x3b: {  	v44 =	vld [tilespmem:$0xB10];
	v0 =	vadd.f32 v39, v0  }
0x3c: {  	v45 =	vld [tilespmem:$0xB80];
	v1 =	vadd.f32 v40, v1  }
0x3d: {  	v46 =	vld [tilespmem:$0xB90];
	v0 =	vadd.f32 v41, v0  }
0x3e: {  	v47 =	vld [tilespmem:$0xC00];
	v1 =	vadd.f32 v42, v1  }
0x3f: {  	v48 =	vld [tilespmem:$0xC10];
	v0 =	vadd.f32 v43, v0  }
0x40: {  	v49 =	vld [tilespmem:$0xC80];
	v1 =	vadd.f32 v44, v1  }
0x41: {  	v50 =	vld [tilespmem:$0xC90];
	v0 =	vadd.f32 v45, v0  }
0x42: {  	v51 =	vld [tilespmem:$0xD00];
	v1 =	vadd.f32 v46, v1  }
0x43: {  	v52 =	vld [tilespmem:$0xD10];
	v0 =	vadd.f32 v47, v0  }
0x44: {  	v53 =	vld [tilespmem:$0xD80];
	v1 =	vadd.f32 v48, v1  }
0x45: {  	v54 =	vld [tilespmem:$0xD90];
	v0 =	vadd.f32 v49, v0  }
0x46: {  	v55 =	vld [tilespmem:$0xE00];
	v1 =	vadd.f32 v50, v1  }
0x47: {  	v56 =	vld [tilespmem:$0xE10];
	v0 =	vadd.f32 v51, v0  }
0x48: {  	v57 =	vld [tilespmem:$0xE80];
	v1 =	vadd.f32 v52, v1  }
0x49: {  	v58 =	vld [tilespmem:$0xE90];
	v0 =	vadd.f32 v53, v0  }
0x4a: {  	v59 =	vld [tilespmem:$0xF00];
	v1 =	vadd.f32 v54, v1  }
0x4b: {  	v60 =	vld [tilespmem:$0xF10];
	v0 =	vadd.f32 v55, v0  }
0x4c: {  	v61 =	vld [tilespmem:$0xF80];
	v1 =	vadd.f32 v56, v1  }
0x4d: {  	v62 =	vld [tilespmem:$0xF90];
	v0 =	vadd.f32 v57, v0  }
0x4e: {  	v1 =	vadd.f32 v58, v1  }
0x4f: {  	v0 =	vadd.f32 v59, v0  }
0x50: {  	v1 =	vadd.f32 v60, v1  }
0x51: {  	v0 =	vadd.f32 v61, v0  }
0x52: {  	v1 =	vadd.f32 v62, v1  }
0x53: {  	(v2sf) =	vpush v0, $0x0  }
0x54: {  	(v2sf) =	vpush v1, $0x0  }
0x55: {  	(v2sf) =	vpush v0, $0x1  }
0x56: {  	(v2sf) =	vpush v1, $0x1  }
0x57: {  	(v2sf) =	vpush v0, $0x2  }
0x58: {  	(v2sf) =	vpush v1, $0x2  }
0x59: {  	(v2sf) =	vpush v0, $0x3  }
0x5a: {  	(v2sf) =	vpush v1, $0x3  }
0x5b: {  	(v2sf) =	vpush v0, $0x4  }
0x5c: {  	(v2sf) =	vpush v1, $0x4  }
0x5d: {  	(v2sf) =	vpush v0, $0x5  }
0x5e: {  	(v2sf) =	vpush v1, $0x5  }
0x5f: {  	(v2sf) =	vpush v0, $0x6  }
0x60: {  	(v2sf) =	vpush v1, $0x6  }
0x61: {  	(v2sf) =	vpush v0, $0x7  }
0x62: {  	s24 =	spop (v2sf);
	(v2sf) =	vpush v1, $0x7  }
0x63: {  	s4 =	spop (v2sf);
	(v2sf) =	vpush v0, $0x8  }
0x64: {  	s4 =	sadd.f32 $0.0e+00, s4;
	s5 =	spop (v2sf);
	(v2sf) =	vpush v1, $0x8  }
0x65: {  	s6 =	spop (v2sf);
	(v2sf) =	vpush v0, $0x9  }
0x66: {  	s4 =	sadd.f32 s4, s6;
	s25 =	spop (v2sf);
	(v2sf) =	vpush v1, $0x9  }
0x67: {  	s7 =	spop (v2sf);
	(v2sf) =	vpush v0, $0xA  }
0x68: {  	s4 =	sadd.f32 s4, s7;
	s26 =	spop (v2sf);
	(v2sf) =	vpush v1, $0xA  }
0x69: {  	s8 =	spop (v2sf);
	(v2sf) =	vpush v0, $0xB  }
0x6a: {  	s4 =	sadd.f32 s4, s8;
	s28 =	spop (v2sf);
	(v2sf) =	vpush v1, $0xB  }
0x6b: {  	s9 =	spop (v2sf);
	(v2sf) =	vpush v0, $0xC  }
0x6c: {  	s4 =	sadd.f32 s4, s9;
	s29 =	spop (v2sf);
	(v2sf) =	vpush v1, $0xC  }
0x6d: {  	s10 =	spop (v2sf);
	(v2sf) =	vpush v0, $0xD  }
0x6e: {  	s4 =	sadd.f32 s4, s10;
	s30 =	spop (v2sf);
	(v2sf) =	vpush v1, $0xD  }
0x6f: {  	s11 =	spop (v2sf);
	(v2sf) =	vpush v0, $0xE  }
0x70: {  	s4 =	sadd.f32 s4, s11;
	s31 =	spop (v2sf);
	(v2sf) =	vpush v1, $0xE  }
0x71: {  	s12 =	spop (v2sf);
	(v2sf) =	vpush v0, $0xF  }
0x72: {  	s4 =	sadd.f32 s4, s12;
	s14 =	spop (v2sf);
	(v2sf) =	vpush v1, $0xF  }
0x73: {  	s3 =	sadd.f32 $0.0e+00, s24;
	s13 =	spop (v2sf)  }
0x74: {  	s4 =	sadd.f32 s4, s13;
	s15 =	spop (v2sf)  }
0x75: {  	s3 =	sadd.f32 s3, s5;
	s16 =	spop (v2sf)  }
0x76: {  	s4 =	sadd.f32 s4, s16;
	s17 =	spop (v2sf)  }
0x77: {  	s3 =	sadd.f32 s3, s25;
	s18 =	spop (v2sf)  }
0x78: {  	s4 =	sadd.f32 s4, s18;
	s19 =	spop (v2sf)  }
0x79: {  	s3 =	sadd.f32 s3, s26;
	s20 =	spop (v2sf)  }
0x7a: {  	s4 =	sadd.f32 s4, s20;
	s21 =	spop (v2sf)  }
0x7b: {  	s3 =	sadd.f32 s3, s28;
	s22 =	spop (v2sf)  }
0x7c: {  	s4 =	sadd.f32 s4, s22;
	s23 =	spop (v2sf)  }
0x7d: {  	s3 =	sadd.f32 s3, s29;
	s24 =	spop (v2sf)  }
0x7e: {  	s4 =	sadd.f32 s4, s24;
	s25 =	spop (v2sf)  }
0x7f: {  	s3 =	sadd.f32 s3, s30;
	s26 =	spop (v2sf)  }
0x80: {  	s4 =	sadd.f32 s4, s26;
	s28 =	spop (v2sf)  }
0x81: {  	s3 =	sadd.f32 s3, s31;
	s29 =	spop (v2sf)  }
0x82: {  	s4 =	sadd.f32 s4, s29  }
0x83: {  	s3 =	sadd.f32 s3, s14  }
0x84: {  	s4 =	sadd.f32 s4, s4  }
0x85: {  	s3 =	sadd.f32 s3, s15  }
0x86: {  	s4 =	sadd.f32 $9.999999740e-05, s4  }
0x87: {  	s3 =	sadd.f32 s3, s17  }
0x88: {  	v63 =	vmov s4  }
0x89: {  	s3 =	sadd.f32 s3, s19;
	(erf) = vrcp.f32 v63;
	_ =	sdelay $0x1  }
0x8a: {  	s3 =	sadd.f32 s3, s21;
	_ =	sdelay $0x1  }
0x8b: {  	s3 =	sadd.f32 s3, s23;
	_ =	sdelay $0x1  }
0x8c: {  	s3 =	sadd.f32 s3, s25;
	_ =	sdelay $0x1  }
0x8d: {  	s3 =	sadd.f32 s3, s28  }
0x8e: {  	v0 =	vpop (erf)  }
0x8f: {  	v0 =	vmul.f32 s3, v0;
	_ =	sdelay $0x1  }
0x90: {  	s30 =	simm.s32 $0x1000;
	s31 =	simm.s32 $0x2;
	[tilespmem:$0x1000] =	vst v0  }
0x91: {  	[hbm4b:s1+s2] =	stream.linear.scatter [tilespmem:s30], [sflag:$0x2], $0x80, $0x38;
	[tilespmem:$0x1080] =	vst v63  }
0x92: {  	_ =	swait.ge [sflag:s31], $0x80  }
0x93: {  	[sflag:s31] =	ssyncset.done $0x0  }
0x94: {  	[sflag:s31] =	ssyncadd.s32 $0xFFFFFF80  }
0x95: {  	_ =	sfence.sel $0x180000  }
0x96: {  	[bflag:$0x0] =	sbarrier.arrive $0xFFFF  }
0x97: {  	_ =	strace $0x9000004A  }
0x98: {  	s0 =	sadd.s32 $0x100000, s0;
	[bflag:$0x2] =	sbarrier.arrive $0xFFFF  }
0x99: {  	[sflag:s0] =	ssyncadd.tile.s32 $0x1;
	_ =	shalt  }
.Lfunc_end2:
_tile_overlayer_lowered:
.L_overlay_start_2:
0x9a: {  	(tag) =	ssettag $0x2  }
0x9b: {  	s0 =	rddreg [dreg:$0x0];
	s2 =	stileid.u32  }
0x9c: {  	s1 =	rddreg [dreg:$0x1];
	p0 =	sne.s32 s2, $0x0  }
0x9d: {  	s3 =	rddreg [dreg:$0x2];
	[bflag:$0x3] =	sbarrier.arrive $0xFFFF;
	s2 =	simm.s32 @!p0 $0x1C02  }
0x9e: {  	[timem:s3], [sflag:s2] =	dma.local @!p0 [hbm:s0], s1  }
0x9f: {  	s0 =	simm.s32 @!p0 $0x2  }
0xa0: {  	_ =	swait.ge @!p0 [sflag:s0], s1  }
0xa1: {  	s1 =	ssub.s32 @!p0 $0x0, s1;
	[sflag:s0] =	ssyncset.done @!p0 $0x0  }
0xa2: {  	[sflag:s0] =	ssyncadd.s32 @!p0 s1  }
0xa3: {  	[bflag:$0x3] =	sbarrier.arrive $0xFFFF  }
0xa4: {  	_ =	shalt  }

</sc_bundles>
